<compile_context>
chip_gen: v7x
topology: tpu7x:2x2x1
jax: 0.10.2.dev20260603
libtpu: 0.0.44.dev20260713+nightly
codegen_flags: <defaults>
</compile_context>

<pallas_src>
import functools

import jax
import jax.numpy as jnp
from jax import lax
from jax.experimental import pallas as pl
from jax.experimental.pallas import tpu as pltpu
from jax.experimental.pallas import tpu_sc as plsc

B, C, H, W = 32, 4, 512, 512
N = B * C * H * W
TOPK = N // 2

NC, NS, L = 2, 16, 16
NW = NC * NS
SEG = H * W
NROW = 32
CHUNK = NROW * W
CHUNKS_PER_SEG = SEG // CHUNK
TOTAL_CHUNKS = C * CHUNKS_PER_SEG
CSHIFT = CHUNKS_PER_SEG.bit_length() - 1

SHIFT = 18
NBINS = 1 << (31 - SHIFT + 1)


def _hist_body(x_hbm, t_hbm, w_hbm, sum_hbm,
               xb0, xb1, tb0, tb1, wbuf, hs, sem0, sem1):
    wid = lax.axis_index("s") * NC + lax.axis_index("c")
    pltpu.sync_copy(w_hbm, wbuf)

    def zero_body(i, carry):
        hs[pl.ds(i * L, L)] = jnp.zeros((L,), jnp.float32)
        return carry

    lax.fori_loop(0, NBINS // L, zero_body, 0)

    def start_copies(ci, xb, tb, sem):
        c = lax.shift_right_logical(ci, CSHIFT)
        r0 = jnp.bitwise_and(ci, CHUNKS_PER_SEG - 1) * NROW
        pltpu.make_async_copy(
            x_hbm.at[wid, c, pl.ds(r0, NROW), :], xb, sem).start()
        pltpu.make_async_copy(
            t_hbm.at[wid, c, pl.ds(r0, NROW), :], tb, sem).start()

    def wait_copies(xb, tb, sem):
        pltpu.make_async_copy(
            x_hbm.at[0, 0, pl.ds(0, NROW), :], xb, sem).wait()
        pltpu.make_async_copy(
            t_hbm.at[0, 0, pl.ds(0, NROW), :], tb, sem).wait()

    ones = jnp.ones((L,), jnp.float32)

    def process(ci, xb, tb):
        c = lax.shift_right_logical(ci, CSHIFT)
        wv = wbuf[pl.ds(c * L, L)]

        @plsc.parallel_loop(0, CHUNK, step=L, unroll=32)
        def _(off):
            row = lax.shift_right_logical(off, 9)
            col = jnp.bitwise_and(off, W - 1)
            xv = xb[row, pl.ds(col, L)]
            tv = tb[row, pl.ds(col, L)]
            d = xv - tv
            v = d * d * jnp.where(tv >= 0.0, wv, ones)
            key = lax.bitcast_convert_type(v, jnp.int32)
            bins = lax.shift_right_logical(key, SHIFT)
            plsc.addupdate_scatter(hs, [bins], v)

    start_copies(jnp.int32(0), xb0, tb0, sem0)
    start_copies(jnp.int32(1), xb1, tb1, sem1)

    def ring(i, carry):
        ci0 = i * 2
        wait_copies(xb0, tb0, sem0)
        process(ci0, xb0, tb0)

        @pl.when(ci0 + 2 < TOTAL_CHUNKS)
        def _():
            start_copies(ci0 + 2, xb0, tb0, sem0)

        ci1 = ci0 + 1
        wait_copies(xb1, tb1, sem1)
        process(ci1, xb1, tb1)

        @pl.when(ci1 + 2 < TOTAL_CHUNKS)
        def _():
            start_copies(ci1 + 2, xb1, tb1, sem1)

        return carry

    lax.fori_loop(0, TOTAL_CHUNKS // 2, ring, 0)

    pltpu.sync_copy(hs, sum_hbm.at[wid])


_hist_kernel = functools.partial(
    pl.kernel,
    out_type=jax.ShapeDtypeStruct((NW, NBINS), jnp.float32),
    mesh=plsc.VectorSubcoreMesh(core_axis_name="c", subcore_axis_name="s"),
    scratch_types=[
        pltpu.VMEM((NROW, W), jnp.float32),
        pltpu.VMEM((NROW, W), jnp.float32),
        pltpu.VMEM((NROW, W), jnp.float32),
        pltpu.VMEM((NROW, W), jnp.float32),
        pltpu.VMEM((C * L,), jnp.float32),
        pltpu.VMEM((NBINS,), jnp.float32),
        pltpu.SemaphoreType.DMA,
        pltpu.SemaphoreType.DMA,
    ],
    compiler_params=pltpu.CompilerParams(needs_layout_passes=False),
)(_hist_body)


def _select_body(sum_ref, out_ref):
    s = jnp.sum(sum_ref[...], axis=0)[None, :]
    j = lax.broadcasted_iota(jnp.int32, (1, NBINS), 1)
    lo = lax.bitcast_convert_type(j << SHIFT, jnp.float32)
    hi = lax.bitcast_convert_type(
        jnp.minimum((j + 1) << SHIFT, jnp.int32(0x7F7FFFFF)), jnp.float32)
    center = jnp.maximum((lo + hi) * 0.5, jnp.float32(1e-37))
    c = jnp.where(s > 0.0, s / center, 0.0)
    c = c * (jnp.float32(N) / jnp.maximum(jnp.sum(c), 1.0))
    lane = j
    P, PS = c, s
    shift = 1
    while shift < NBINS:
        keep = lane >= shift
        P = P + jnp.where(keep, pltpu.roll(P, shift, axis=1), 0.0)
        PS = PS + jnp.where(keep, pltpu.roll(PS, shift, axis=1), 0.0)
        shift *= 2
    total = jnp.sum(c, axis=1, keepdims=True)
    stotal = jnp.sum(s, axis=1, keepdims=True)
    above = total - P
    sabove = stotal - PS
    kf = jnp.float32(TOPK)
    mask = jnp.logical_and(above < kf, above + c >= kf)
    bin_mean = s / jnp.maximum(c, 1.0)
    contrib = sabove + (kf - above) * bin_mean
    sum_top = jnp.sum(jnp.where(mask, contrib, 0.0))
    out_ref[0, 0] = sum_top / kf


def kernel(input, target, weights):
    wrep = jnp.repeat(weights.reshape(-1).astype(jnp.float32), L)
    sm = _hist_kernel(input, target, wrep)
    res = pl.pallas_call(
        _select_body,
        out_shape=jax.ShapeDtypeStruct((1, 1), jnp.float32),
        out_specs=pl.BlockSpec(memory_space=pltpu.SMEM),
    )(sm)
    return res[0, 0]

# --- scband reference (transcript-rebuilt; emitter-appended) ---
"""Pipeline reference for scband-loss-wrapper-13975823581618 (READ-ONLY COPY).

The authoritative reference and input builder live on the scoring server;
editing this copy changes nothing except your own understanding.
"""

import jax, jax.numpy as jnp
import numpy as np

K_FRAC = 0.5

def setup_inputs(seed: int = 0) -> dict:
    key = jax.random.key(seed)
    k1, k2 = jax.random.split(key, 2)
    inp = jax.random.normal(k1, (32, 4, 512, 512), dtype=jnp.float32)
    target = jax.random.normal(k2, (32, 4, 512, 512), dtype=jnp.float32)
    weights = jnp.array([1.5, 0.8, 1.2, 1.0], dtype=jnp.float32).reshape(1, -1, 1, 1)
    return {"input": inp, "target": target, "weights": weights}


def reference(input, target, weights):
    # criterion: MSELoss(reduction='none')
    e = (input - target) ** 2
    # use_positive_weights: e += e * (weights - 1) * target.ge(0)
    mask = jnp.greater_equal(target, 0.0).astype(e.dtype)
    e = e + e * (weights - 1.0) * mask
    flat = e.reshape(-1)
    k = int(K_FRAC * flat.shape[0])
    # torch.topk(flatten, k) -> top-k largest values; mean of them.
    # Equivalent (and differentiable) via full descending sort + slice.
    top = jnp.sort(flat)[::-1][:k]
    return jnp.mean(top)

if __name__ == "__main__":
    import jax
    _d = setup_inputs()
    print(jax.jit(kernel)(*tuple(_d.values())))

</pallas_src>

<mosaic_0001>
#map = affine_map<(d0, d1) -> (0, 0, 0, 0)>
#map1 = affine_map<(d0, d1) -> (0)>
#map2 = affine_map<(d0, d1) -> (0, 0)>
module attributes {stable_mosaic.version = 14 : i64} {
  func.func @_hist_body(%arg0: i32, %arg1: i32, %arg2: memref<32x4x512x512xf32, #tpu.memory_space<hbm>>, %arg3: memref<32x4x512x512xf32, #tpu.memory_space<hbm>>, %arg4: memref<64xf32, #tpu.memory_space<hbm>>, %arg5: memref<32x16384xf32, #tpu.memory_space<hbm>>, %arg6: memref<32x512xf32, #tpu.memory_space<vmem>>, %arg7: memref<32x512xf32, #tpu.memory_space<vmem>>, %arg8: memref<32x512xf32, #tpu.memory_space<vmem>>, %arg9: memref<32x512xf32, #tpu.memory_space<vmem>>, %arg10: memref<64xf32, #tpu.memory_space<vmem>>, %arg11: memref<16384xf32, #tpu.memory_space<vmem>>, %arg12: memref<!tpu.dma_semaphore, #tpu.memory_space<semaphore_mem>>, %arg13: memref<!tpu.dma_semaphore, #tpu.memory_space<semaphore_mem>>) attributes {dimension_semantics = [#tpu.dimension_semantics<core_parallel>, #tpu.dimension_semantics<subcore_parallel>], iteration_bounds = array<i64: 2, 16>, scalar_prefetch = 0 : i64, scratch_operands = 8 : i64, tpu.core_type = #tpu.core_type<sc_vector_subcore>, window_params = [{transform_indices = #map}, {transform_indices = #map}, {transform_indices = #map1}, {transform_indices = #map2}]} {
    %mul3A = arith.constant 2 : i32
    %mul3A_0 = arith.muli %arg1, %mul3A : i32
    %add3A = arith.addi %mul3A_0, %arg0 : i32
    "tpu.region"() ({
      %run_scoped3A = tpu.sem_alloc : memref<!tpu.dma_semaphore, #tpu.memory_space<semaphore_mem>>
      tpu.enqueue_dma source(%arg4 : memref<64xf32, #tpu.memory_space<hbm>>) target(%arg10 : memref<64xf32, #tpu.memory_space<vmem>>) target_semaphore(%run_scoped3A : memref<!tpu.dma_semaphore, #tpu.memory_space<semaphore_mem>>)
      tpu.wait_dma2 semaphore(%run_scoped3A : memref<!tpu.dma_semaphore, #tpu.memory_space<semaphore_mem>>) src(%arg4 : memref<64xf32, #tpu.memory_space<hbm>>) dst(%arg10 : memref<64xf32, #tpu.memory_space<vmem>>)
      tpu.yield
    }) : () -> ()
    %scan3A = arith.constant 0 : i32
    %scan3A_1 = arith.constant 0 : i32
    %scan3A_2 = arith.constant 1024 : i32
    %scan3A_3 = arith.addi %scan3A_1, %scan3A_2 : i32
    %scan3A_4 = arith.constant 1 : i32
    scf.for %scan3A_50 = %scan3A_1 to %scan3A_3 step %scan3A_4  : i32 {
      %broadcast_in_dim3A_51 = arith.constant 0.000000e+00 : f32
      %broadcast_in_dim3A_52 = vector.broadcast %broadcast_in_dim3A_51 : f32 to vector<16xf32>
      %mul3A_53 = arith.constant 16 : i32
      %mul3A_54 = arith.muli %scan3A_50, %mul3A_53 : i32
      %swap3A = arith.index_cast %mul3A_54 : i32 to index
      %swap3A_55 = tpu.vector_load %arg11[%swap3A] {strides = array<i32>} : memref<16384xf32, #tpu.memory_space<vmem>>, vector<16xf32>,
      tpu.vector_store %arg11[%swap3A], %broadcast_in_dim3A_52 {strides = array<i32>} : memref<16384xf32, #tpu.memory_space<vmem>>, vector<16xf32>,
    }
    %scan3A_5 = arith.constant 1024 : i32
    %broadcast_in_dim3A = arith.constant 1.000000e+00 : f32
    %broadcast_in_dim3A_6 = vector.broadcast %broadcast_in_dim3A : f32 to vector<16xf32>
    %shift_right_logical3A = arith.constant 0 : i32
    %shift_right_logical3A_7 = arith.constant 4 : i32
    %shift_right_logical3A_8 = arith.shrui %shift_right_logical3A, %shift_right_logical3A_7 : i32
    %and3A = arith.constant 0 : i32
    %and3A_9 = arith.constant 15 : i32
    %and3A_10 = arith.andi %and3A, %and3A_9 : i32
    %mul3A_11 = arith.constant 32 : i32
    %mul3A_12 = arith.muli %and3A_10, %mul3A_11 : i32
    %dma_start3A = arith.constant 0 : i32
    %dma_start3A_13 = tpu.memref_slice %arg2[%add3A, %shift_right_logical3A_8, %mul3A_12, %dma_start3A] : memref<32x4x512x512xf32, #tpu.memory_space<hbm>> -> memref<1x1x32x512xf32, #tpu.memory_space<hbm>>
    %dma_start3A_14 = tpu.memref_squeeze %dma_start3A_13 : memref<1x1x32x512xf32, #tpu.memory_space<hbm>> -> memref<32x512xf32, #tpu.memory_space<hbm>>
    %dma_start3A_15 = arith.constant 0 : i32
    %dma_start3A_16 = tpu.memref_slice %arg2[%add3A, %shift_right_logical3A_8, %mul3A_12, %dma_start3A_15] : memref<32x4x512x512xf32, #tpu.memory_space<hbm>> -> memref<1x1x32x512xf32, #tpu.memory_space<hbm>>
    %dma_start3A_17 = tpu.memref_squeeze %dma_start3A_16 : memref<1x1x32x512xf32, #tpu.memory_space<hbm>> -> memref<32x512xf32, #tpu.memory_space<hbm>>
    tpu.enqueue_dma source(%dma_start3A_17 : memref<32x512xf32, #tpu.memory_space<hbm>>) target(%arg6 : memref<32x512xf32, #tpu.memory_space<vmem>>) target_semaphore(%arg12 : memref<!tpu.dma_semaphore, #tpu.memory_space<semaphore_mem>>)
    %dma_start3A_18 = arith.constant 0 : i32
    %dma_start3A_19 = tpu.memref_slice %arg3[%add3A, %shift_right_logical3A_8, %mul3A_12, %dma_start3A_18] : memref<32x4x512x512xf32, #tpu.memory_space<hbm>> -> memref<1x1x32x512xf32, #tpu.memory_space<hbm>>
    %dma_start3A_20 = tpu.memref_squeeze %dma_start3A_19 : memref<1x1x32x512xf32, #tpu.memory_space<hbm>> -> memref<32x512xf32, #tpu.memory_space<hbm>>
    %dma_start3A_21 = arith.constant 0 : i32
    %dma_start3A_22 = tpu.memref_slice %arg3[%add3A, %shift_right_logical3A_8, %mul3A_12, %dma_start3A_21] : memref<32x4x512x512xf32, #tpu.memory_space<hbm>> -> memref<1x1x32x512xf32, #tpu.memory_space<hbm>>
    %dma_start3A_23 = tpu.memref_squeeze %dma_start3A_22 : memref<1x1x32x512xf32, #tpu.memory_space<hbm>> -> memref<32x512xf32, #tpu.memory_space<hbm>>
    tpu.enqueue_dma source(%dma_start3A_23 : memref<32x512xf32, #tpu.memory_space<hbm>>) target(%arg8 : memref<32x512xf32, #tpu.memory_space<vmem>>) target_semaphore(%arg12 : memref<!tpu.dma_semaphore, #tpu.memory_space<semaphore_mem>>)
    %shift_right_logical3A_24 = arith.constant 1 : i32
    %shift_right_logical3A_25 = arith.constant 4 : i32
    %shift_right_logical3A_26 = arith.shrui %shift_right_logical3A_24, %shift_right_logical3A_25 : i32
    %and3A_27 = arith.constant 1 : i32
    %and3A_28 = arith.constant 15 : i32
    %and3A_29 = arith.andi %and3A_27, %and3A_28 : i32
    %mul3A_30 = arith.constant 32 : i32
    %mul3A_31 = arith.muli %and3A_29, %mul3A_30 : i32
    %dma_start3A_32 = arith.constant 0 : i32
    %dma_start3A_33 = tpu.memref_slice %arg2[%add3A, %shift_right_logical3A_26, %mul3A_31, %dma_start3A_32] : memref<32x4x512x512xf32, #tpu.memory_space<hbm>> -> memref<1x1x32x512xf32, #tpu.memory_space<hbm>>
    %dma_start3A_34 = tpu.memref_squeeze %dma_start3A_33 : memref<1x1x32x512xf32, #tpu.memory_space<hbm>> -> memref<32x512xf32, #tpu.memory_space<hbm>>
    %dma_start3A_35 = arith.constant 0 : i32
    %dma_start3A_36 = tpu.memref_slice %arg2[%add3A, %shift_right_logical3A_26, %mul3A_31, %dma_start3A_35] : memref<32x4x512x512xf32, #tpu.memory_space<hbm>> -> memref<1x1x32x512xf32, #tpu.memory_space<hbm>>
    %dma_start3A_37 = tpu.memref_squeeze %dma_start3A_36 : memref<1x1x32x512xf32, #tpu.memory_space<hbm>> -> memref<32x512xf32, #tpu.memory_space<hbm>>
    tpu.enqueue_dma source(%dma_start3A_37 : memref<32x512xf32, #tpu.memory_space<hbm>>) target(%arg7 : memref<32x512xf32, #tpu.memory_space<vmem>>) target_semaphore(%arg13 : memref<!tpu.dma_semaphore, #tpu.memory_space<semaphore_mem>>)
    %dma_start3A_38 = arith.constant 0 : i32
    %dma_start3A_39 = tpu.memref_slice %arg3[%add3A, %shift_right_logical3A_26, %mul3A_31, %dma_start3A_38] : memref<32x4x512x512xf32, #tpu.memory_space<hbm>> -> memref<1x1x32x512xf32, #tpu.memory_space<hbm>>
    %dma_start3A_40 = tpu.memref_squeeze %dma_start3A_39 : memref<1x1x32x512xf32, #tpu.memory_space<hbm>> -> memref<32x512xf32, #tpu.memory_space<hbm>>
    %dma_start3A_41 = arith.constant 0 : i32
    %dma_start3A_42 = tpu.memref_slice %arg3[%add3A, %shift_right_logical3A_26, %mul3A_31, %dma_start3A_41] : memref<32x4x512x512xf32, #tpu.memory_space<hbm>> -> memref<1x1x32x512xf32, #tpu.memory_space<hbm>>
    %dma_start3A_43 = tpu.memref_squeeze %dma_start3A_42 : memref<1x1x32x512xf32, #tpu.memory_space<hbm>> -> memref<32x512xf32, #tpu.memory_space<hbm>>
    tpu.enqueue_dma source(%dma_start3A_43 : memref<32x512xf32, #tpu.memory_space<hbm>>) target(%arg9 : memref<32x512xf32, #tpu.memory_space<vmem>>) target_semaphore(%arg13 : memref<!tpu.dma_semaphore, #tpu.memory_space<semaphore_mem>>)
    %scan3A_44 = arith.constant 0 : i32
    %scan3A_45 = arith.constant 0 : i32
    %scan3A_46 = arith.constant 32 : i32
    %scan3A_47 = arith.addi %scan3A_45, %scan3A_46 : i32
    %scan3A_48 = arith.constant 1 : i32
    scf.for %scan3A_50 = %scan3A_45 to %scan3A_47 step %scan3A_48  : i32 {
      %mul3A_51 = arith.constant 2 : i32
      %mul3A_52 = arith.muli %scan3A_50, %mul3A_51 : i32
      %dma_wait3A = arith.constant 0 : i32
      %dma_wait3A_53 = arith.constant 0 : i32
      %dma_wait3A_54 = arith.constant 0 : i32
      %dma_wait3A_55 = arith.constant 0 : i32
      %dma_wait3A_56 = tpu.memref_slice %arg2[%dma_wait3A, %dma_wait3A_53, %dma_wait3A_54, %dma_wait3A_55] : memref<32x4x512x512xf32, #tpu.memory_space<hbm>> -> memref<1x1x32x512xf32, #tpu.memory_space<hbm>>
      %dma_wait3A_57 = tpu.memref_squeeze %dma_wait3A_56 : memref<1x1x32x512xf32, #tpu.memory_space<hbm>> -> memref<32x512xf32, #tpu.memory_space<hbm>>
      %dma_wait3A_58 = arith.constant 0 : i32
      %dma_wait3A_59 = arith.constant 0 : i32
      %dma_wait3A_60 = tpu.memref_slice %arg2[%dma_wait3A, %dma_wait3A_53, %dma_wait3A_58, %dma_wait3A_59] : memref<32x4x512x512xf32, #tpu.memory_space<hbm>> -> memref<1x1x32x512xf32, #tpu.memory_space<hbm>>
      %dma_wait3A_61 = tpu.memref_squeeze %dma_wait3A_60 : memref<1x1x32x512xf32, #tpu.memory_space<hbm>> -> memref<32x512xf32, #tpu.memory_space<hbm>>
      tpu.wait_dma2 semaphore(%arg12 : memref<!tpu.dma_semaphore, #tpu.memory_space<semaphore_mem>>) src(%dma_wait3A_61 : memref<32x512xf32, #tpu.memory_space<hbm>>) dst(%arg6 : memref<32x512xf32, #tpu.memory_space<vmem>>)
      %dma_wait3A_62 = arith.constant 0 : i32
      %dma_wait3A_63 = arith.constant 0 : i32
      %dma_wait3A_64 = arith.constant 0 : i32
      %dma_wait3A_65 = arith.constant 0 : i32
      %dma_wait3A_66 = tpu.memref_slice %arg3[%dma_wait3A_62, %dma_wait3A_63, %dma_wait3A_64, %dma_wait3A_65] : memref<32x4x512x512xf32, #tpu.memory_space<hbm>> -> memref<1x1x32x512xf32, #tpu.memory_space<hbm>>
      %dma_wait3A_67 = tpu.memref_squeeze %dma_wait3A_66 : memref<1x1x32x512xf32, #tpu.memory_space<hbm>> -> memref<32x512xf32, #tpu.memory_space<hbm>>
      %dma_wait3A_68 = arith.constant 0 : i32
      %dma_wait3A_69 = arith.constant 0 : i32
      %dma_wait3A_70 = tpu.memref_slice %arg3[%dma_wait3A_62, %dma_wait3A_63, %dma_wait3A_68, %dma_wait3A_69] : memref<32x4x512x512xf32, #tpu.memory_space<hbm>> -> memref<1x1x32x512xf32, #tpu.memory_space<hbm>>
      %dma_wait3A_71 = tpu.memref_squeeze %dma_wait3A_70 : memref<1x1x32x512xf32, #tpu.memory_space<hbm>> -> memref<32x512xf32, #tpu.memory_space<hbm>>
      tpu.wait_dma2 semaphore(%arg12 : memref<!tpu.dma_semaphore, #tpu.memory_space<semaphore_mem>>) src(%dma_wait3A_71 : memref<32x512xf32, #tpu.memory_space<hbm>>) dst(%arg8 : memref<32x512xf32, #tpu.memory_space<vmem>>)
      %shift_right_logical3A_72 = arith.constant 4 : i32
      %shift_right_logical3A_73 = arith.shrui %mul3A_52, %shift_right_logical3A_72 : i32
      %mul3A_74 = arith.constant 16 : i32
      %mul3A_75 = arith.muli %shift_right_logical3A_73, %mul3A_74 : i32
      %get3A = arith.index_cast %mul3A_75 : i32 to index
      %get3A_76 = tpu.vector_load %arg10[%get3A] {strides = array<i32>} : memref<64xf32, #tpu.memory_space<vmem>>, vector<16xf32>,
      %parallel_loop3A = arith.constant 0 : i32
      %parallel_loop3A_77 = arith.constant 16384 : i32
      %parallel_loop3A_78 = arith.constant 16 : i32
      scf.for %parallel_loop3A_121 = %parallel_loop3A to %parallel_loop3A_77 step %parallel_loop3A_78  : i32 {
        %parallel_loop3A_122 = arith.constant 9 : i32
        %parallel_loop3A_123 = arith.shrui %parallel_loop3A_121, %parallel_loop3A_122 : i32
        %parallel_loop3A_124 = arith.constant 511 : i32
        %parallel_loop3A_125 = arith.andi %parallel_loop3A_121, %parallel_loop3A_124 : i32
        %parallel_loop3A_126 = arith.index_cast %parallel_loop3A_123 : i32 to index
        %parallel_loop3A_127 = arith.index_cast %parallel_loop3A_125 : i32 to index
        %parallel_loop3A_128 = tpu.vector_load %arg6[%parallel_loop3A_126, %parallel_loop3A_127] {strides = array<i32>} : memref<32x512xf32, #tpu.memory_space<vmem>>, vector<16xf32>,
        %parallel_loop3A_129 = arith.index_cast %parallel_loop3A_123 : i32 to index
        %parallel_loop3A_130 = arith.index_cast %parallel_loop3A_125 : i32 to index
        %parallel_loop3A_131 = tpu.vector_load %arg8[%parallel_loop3A_129, %parallel_loop3A_130] {strides = array<i32>} : memref<32x512xf32, #tpu.memory_space<vmem>>, vector<16xf32>,
        %parallel_loop3A_132 = arith.subf %parallel_loop3A_128, %parallel_loop3A_131 : vector<16xf32>
        %parallel_loop3A_133 = arith.mulf %parallel_loop3A_132, %parallel_loop3A_132 : vector<16xf32>
        %parallel_loop3A_134 = arith.constant 0.000000e+00 : f32
        %parallel_loop3A_135 = vector.broadcast %parallel_loop3A_134 : f32 to vector<16xf32>
        %parallel_loop3A_136 = arith.cmpf oge, %parallel_loop3A_131, %parallel_loop3A_135 : vector<16xf32>
        %parallel_loop3A_137 = arith.select %parallel_loop3A_136, %get3A_76, %broadcast_in_dim3A_6 : vector<16xi1>, vector<16xf32>
        %parallel_loop3A_138 = arith.mulf %parallel_loop3A_133, %parallel_loop3A_137 : vector<16xf32>
        %parallel_loop3A_139 = tpu.bitcast %parallel_loop3A_138 : vector<16xf32> -> vector<16xi32>
        %parallel_loop3A_140 = arith.constant 18 : i32
        %parallel_loop3A_141 = vector.broadcast %parallel_loop3A_140 : i32 to vector<16xi32>
        %parallel_loop3A_142 = arith.shrui %parallel_loop3A_139, %parallel_loop3A_141 : vector<16xi32>
        tpu.vector_store_idx %arg11[%parallel_loop3A_142], %parallel_loop3A_138 {add = true} : memref<16384xf32, #tpu.memory_space<vmem>>[vector<16xi32>], vector<16xf32>,
      } {sc.loop_unroll_factor = 32 : i64, sc.parallel_access}
      %add3A_79 = arith.constant 2 : i32
      %add3A_80 = arith.addi %mul3A_52, %add3A_79 : i32
      %lt3A = arith.constant 64 : i32
      %lt3A_81 = arith.cmpi slt, %add3A_80, %lt3A : i32
      %convert_element_type3A = arith.extui %lt3A_81 : i1 to i32
      %cond3A = arith.constant 0 : i32
      %cond3A_82 = arith.cmpi ne, %convert_element_type3A, %cond3A : i32
      scf.if %cond3A_82 {
        %add3A_121 = arith.constant 2 : i32
        %add3A_122 = arith.addi %mul3A_52, %add3A_121 : i32
        %shift_right_logical3A_123 = arith.constant 4 : i32
        %shift_right_logical3A_124 = arith.shrui %add3A_122, %shift_right_logical3A_123 : i32
        %and3A_125 = arith.constant 15 : i32
        %and3A_126 = arith.andi %add3A_122, %and3A_125 : i32
        %mul3A_127 = arith.constant 32 : i32
        %mul3A_128 = arith.muli %and3A_126, %mul3A_127 : i32
        %dma_start3A_129 = arith.constant 0 : i32
        %dma_start3A_130 = tpu.memref_slice %arg2[%add3A, %shift_right_logical3A_124, %mul3A_128, %dma_start3A_129] : memref<32x4x512x512xf32, #tpu.memory_space<hbm>> -> memref<1x1x32x512xf32, #tpu.memory_space<hbm>>
        %dma_start3A_131 = tpu.memref_squeeze %dma_start3A_130 : memref<1x1x32x512xf32, #tpu.memory_space<hbm>> -> memref<32x512xf32, #tpu.memory_space<hbm>>
        %dma_start3A_132 = arith.constant 0 : i32
        %dma_start3A_133 = tpu.memref_slice %arg2[%add3A, %shift_right_logical3A_124, %mul3A_128, %dma_start3A_132] : memref<32x4x512x512xf32, #tpu.memory_space<hbm>> -> memref<1x1x32x512xf32, #tpu.memory_space<hbm>>
        %dma_start3A_134 = tpu.memref_squeeze %dma_start3A_133 : memref<1x1x32x512xf32, #tpu.memory_space<hbm>> -> memref<32x512xf32, #tpu.memory_space<hbm>>
        tpu.enqueue_dma source(%dma_start3A_134 : memref<32x512xf32, #tpu.memory_space<hbm>>) target(%arg6 : memref<32x512xf32, #tpu.memory_space<vmem>>) target_semaphore(%arg12 : memref<!tpu.dma_semaphore, #tpu.memory_space<semaphore_mem>>)
        %dma_start3A_135 = arith.constant 0 : i32
        %dma_start3A_136 = tpu.memref_slice %arg3[%add3A, %shift_right_logical3A_124, %mul3A_128, %dma_start3A_135] : memref<32x4x512x512xf32, #tpu.memory_space<hbm>> -> memref<1x1x32x512xf32, #tpu.memory_space<hbm>>
        %dma_start3A_137 = tpu.memref_squeeze %dma_start3A_136 : memref<1x1x32x512xf32, #tpu.memory_space<hbm>> -> memref<32x512xf32, #tpu.memory_space<hbm>>
        %dma_start3A_138 = arith.constant 0 : i32
        %dma_start3A_139 = tpu.memref_slice %arg3[%add3A, %shift_right_logical3A_124, %mul3A_128, %dma_start3A_138] : memref<32x4x512x512xf32, #tpu.memory_space<hbm>> -> memref<1x1x32x512xf32, #tpu.memory_space<hbm>>
        %dma_start3A_140 = tpu.memref_squeeze %dma_start3A_139 : memref<1x1x32x512xf32, #tpu.memory_space<hbm>> -> memref<32x512xf32, #tpu.memory_space<hbm>>
        tpu.enqueue_dma source(%dma_start3A_140 : memref<32x512xf32, #tpu.memory_space<hbm>>) target(%arg8 : memref<32x512xf32, #tpu.memory_space<vmem>>) target_semaphore(%arg12 : memref<!tpu.dma_semaphore, #tpu.memory_space<semaphore_mem>>)
      } else {
      }
      %add3A_83 = arith.constant 1 : i32
      %add3A_84 = arith.addi %mul3A_52, %add3A_83 : i32
      %dma_wait3A_85 = arith.constant 0 : i32
      %dma_wait3A_86 = arith.constant 0 : i32
      %dma_wait3A_87 = arith.constant 0 : i32
      %dma_wait3A_88 = arith.constant 0 : i32
      %dma_wait3A_89 = tpu.memref_slice %arg2[%dma_wait3A_85, %dma_wait3A_86, %dma_wait3A_87, %dma_wait3A_88] : memref<32x4x512x512xf32, #tpu.memory_space<hbm>> -> memref<1x1x32x512xf32, #tpu.memory_space<hbm>>
      %dma_wait3A_90 = tpu.memref_squeeze %dma_wait3A_89 : memref<1x1x32x512xf32, #tpu.memory_space<hbm>> -> memref<32x512xf32, #tpu.memory_space<hbm>>
      %dma_wait3A_91 = arith.constant 0 : i32
      %dma_wait3A_92 = arith.constant 0 : i32
      %dma_wait3A_93 = tpu.memref_slice %arg2[%dma_wait3A_85, %dma_wait3A_86, %dma_wait3A_91, %dma_wait3A_92] : memref<32x4x512x512xf32, #tpu.memory_space<hbm>> -> memref<1x1x32x512xf32, #tpu.memory_space<hbm>>
      %dma_wait3A_94 = tpu.memref_squeeze %dma_wait3A_93 : memref<1x1x32x512xf32, #tpu.memory_space<hbm>> -> memref<32x512xf32, #tpu.memory_space<hbm>>
      tpu.wait_dma2 semaphore(%arg13 : memref<!tpu.dma_semaphore, #tpu.memory_space<semaphore_mem>>) src(%dma_wait3A_94 : memref<32x512xf32, #tpu.memory_space<hbm>>) dst(%arg7 : memref<32x512xf32, #tpu.memory_space<vmem>>)
      %dma_wait3A_95 = arith.constant 0 : i32
      %dma_wait3A_96 = arith.constant 0 : i32
      %dma_wait3A_97 = arith.constant 0 : i32
      %dma_wait3A_98 = arith.constant 0 : i32
      %dma_wait3A_99 = tpu.memref_slice %arg3[%dma_wait3A_95, %dma_wait3A_96, %dma_wait3A_97, %dma_wait3A_98] : memref<32x4x512x512xf32, #tpu.memory_space<hbm>> -> memref<1x1x32x512xf32, #tpu.memory_space<hbm>>
      %dma_wait3A_100 = tpu.memref_squeeze %dma_wait3A_99 : memref<1x1x32x512xf32, #tpu.memory_space<hbm>> -> memref<32x512xf32, #tpu.memory_space<hbm>>
      %dma_wait3A_101 = arith.constant 0 : i32
      %dma_wait3A_102 = arith.constant 0 : i32
      %dma_wait3A_103 = tpu.memref_slice %arg3[%dma_wait3A_95, %dma_wait3A_96, %dma_wait3A_101, %dma_wait3A_102] : memref<32x4x512x512xf32, #tpu.memory_space<hbm>> -> memref<1x1x32x512xf32, #tpu.memory_space<hbm>>
      %dma_wait3A_104 = tpu.memref_squeeze %dma_wait3A_103 : memref<1x1x32x512xf32, #tpu.memory_space<hbm>> -> memref<32x512xf32, #tpu.memory_space<hbm>>
      tpu.wait_dma2 semaphore(%arg13 : memref<!tpu.dma_semaphore, #tpu.memory_space<semaphore_mem>>) src(%dma_wait3A_104 : memref<32x512xf32, #tpu.memory_space<hbm>>) dst(%arg9 : memref<32x512xf32, #tpu.memory_space<vmem>>)
      %shift_right_logical3A_105 = arith.constant 4 : i32
      %shift_right_logical3A_106 = arith.shrui %add3A_84, %shift_right_logical3A_105 : i32
      %mul3A_107 = arith.constant 16 : i32
      %mul3A_108 = arith.muli %shift_right_logical3A_106, %mul3A_107 : i32
      %get3A_109 = arith.index_cast %mul3A_108 : i32 to index
      %get3A_110 = tpu.vector_load %arg10[%get3A_109] {strides = array<i32>} : memref<64xf32, #tpu.memory_space<vmem>>, vector<16xf32>,
      %parallel_loop3A_111 = arith.constant 0 : i32
      %parallel_loop3A_112 = arith.constant 16384 : i32
      %parallel_loop3A_113 = arith.constant 16 : i32
      scf.for %parallel_loop3A_121 = %parallel_loop3A_111 to %parallel_loop3A_112 step %parallel_loop3A_113  : i32 {
        %parallel_loop3A_122 = arith.constant 9 : i32
        %parallel_loop3A_123 = arith.shrui %parallel_loop3A_121, %parallel_loop3A_122 : i32
        %parallel_loop3A_124 = arith.constant 511 : i32
        %parallel_loop3A_125 = arith.andi %parallel_loop3A_121, %parallel_loop3A_124 : i32
        %parallel_loop3A_126 = arith.index_cast %parallel_loop3A_123 : i32 to index
        %parallel_loop3A_127 = arith.index_cast %parallel_loop3A_125 : i32 to index
        %parallel_loop3A_128 = tpu.vector_load %arg7[%parallel_loop3A_126, %parallel_loop3A_127] {strides = array<i32>} : memref<32x512xf32, #tpu.memory_space<vmem>>, vector<16xf32>,
        %parallel_loop3A_129 = arith.index_cast %parallel_loop3A_123 : i32 to index
        %parallel_loop3A_130 = arith.index_cast %parallel_loop3A_125 : i32 to index
        %parallel_loop3A_131 = tpu.vector_load %arg9[%parallel_loop3A_129, %parallel_loop3A_130] {strides = array<i32>} : memref<32x512xf32, #tpu.memory_space<vmem>>, vector<16xf32>,
        %parallel_loop3A_132 = arith.subf %parallel_loop3A_128, %parallel_loop3A_131 : vector<16xf32>
        %parallel_loop3A_133 = arith.mulf %parallel_loop3A_132, %parallel_loop3A_132 : vector<16xf32>
        %parallel_loop3A_134 = arith.constant 0.000000e+00 : f32
        %parallel_loop3A_135 = vector.broadcast %parallel_loop3A_134 : f32 to vector<16xf32>
        %parallel_loop3A_136 = arith.cmpf oge, %parallel_loop3A_131, %parallel_loop3A_135 : vector<16xf32>
        %parallel_loop3A_137 = arith.select %parallel_loop3A_136, %get3A_110, %broadcast_in_dim3A_6 : vector<16xi1>, vector<16xf32>
        %parallel_loop3A_138 = arith.mulf %parallel_loop3A_133, %parallel_loop3A_137 : vector<16xf32>
        %parallel_loop3A_139 = tpu.bitcast %parallel_loop3A_138 : vector<16xf32> -> vector<16xi32>
        %parallel_loop3A_140 = arith.constant 18 : i32
        %parallel_loop3A_141 = vector.broadcast %parallel_loop3A_140 : i32 to vector<16xi32>
        %parallel_loop3A_142 = arith.shrui %parallel_loop3A_139, %parallel_loop3A_141 : vector<16xi32>
        tpu.vector_store_idx %arg11[%parallel_loop3A_142], %parallel_loop3A_138 {add = true} : memref<16384xf32, #tpu.memory_space<vmem>>[vector<16xi32>], vector<16xf32>,
      } {sc.loop_unroll_factor = 32 : i64, sc.parallel_access}
      %add3A_114 = arith.constant 2 : i32
      %add3A_115 = arith.addi %add3A_84, %add3A_114 : i32
      %lt3A_116 = arith.constant 64 : i32
      %lt3A_117 = arith.cmpi slt, %add3A_115, %lt3A_116 : i32
      %convert_element_type3A_118 = arith.extui %lt3A_117 : i1 to i32
      %cond3A_119 = arith.constant 0 : i32
      %cond3A_120 = arith.cmpi ne, %convert_element_type3A_118, %cond3A_119 : i32
      scf.if %cond3A_120 {
        %add3A_121 = arith.constant 2 : i32
        %add3A_122 = arith.addi %add3A_84, %add3A_121 : i32
        %shift_right_logical3A_123 = arith.constant 4 : i32
        %shift_right_logical3A_124 = arith.shrui %add3A_122, %shift_right_logical3A_123 : i32
        %and3A_125 = arith.constant 15 : i32
        %and3A_126 = arith.andi %add3A_122, %and3A_125 : i32
        %mul3A_127 = arith.constant 32 : i32
        %mul3A_128 = arith.muli %and3A_126, %mul3A_127 : i32
        %dma_start3A_129 = arith.constant 0 : i32
        %dma_start3A_130 = tpu.memref_slice %arg2[%add3A, %shift_right_logical3A_124, %mul3A_128, %dma_start3A_129] : memref<32x4x512x512xf32, #tpu.memory_space<hbm>> -> memref<1x1x32x512xf32, #tpu.memory_space<hbm>>
        %dma_start3A_131 = tpu.memref_squeeze %dma_start3A_130 : memref<1x1x32x512xf32, #tpu.memory_space<hbm>> -> memref<32x512xf32, #tpu.memory_space<hbm>>
        %dma_start3A_132 = arith.constant 0 : i32
        %dma_start3A_133 = tpu.memref_slice %arg2[%add3A, %shift_right_logical3A_124, %mul3A_128, %dma_start3A_132] : memref<32x4x512x512xf32, #tpu.memory_space<hbm>> -> memref<1x1x32x512xf32, #tpu.memory_space<hbm>>
        %dma_start3A_134 = tpu.memref_squeeze %dma_start3A_133 : memref<1x1x32x512xf32, #tpu.memory_space<hbm>> -> memref<32x512xf32, #tpu.memory_space<hbm>>
        tpu.enqueue_dma source(%dma_start3A_134 : memref<32x512xf32, #tpu.memory_space<hbm>>) target(%arg7 : memref<32x512xf32, #tpu.memory_space<vmem>>) target_semaphore(%arg13 : memref<!tpu.dma_semaphore, #tpu.memory_space<semaphore_mem>>)
        %dma_start3A_135 = arith.constant 0 : i32
        %dma_start3A_136 = tpu.memref_slice %arg3[%add3A, %shift_right_logical3A_124, %mul3A_128, %dma_start3A_135] : memref<32x4x512x512xf32, #tpu.memory_space<hbm>> -> memref<1x1x32x512xf32, #tpu.memory_space<hbm>>
        %dma_start3A_137 = tpu.memref_squeeze %dma_start3A_136 : memref<1x1x32x512xf32, #tpu.memory_space<hbm>> -> memref<32x512xf32, #tpu.memory_space<hbm>>
        %dma_start3A_138 = arith.constant 0 : i32
        %dma_start3A_139 = tpu.memref_slice %arg3[%add3A, %shift_right_logical3A_124, %mul3A_128, %dma_start3A_138] : memref<32x4x512x512xf32, #tpu.memory_space<hbm>> -> memref<1x1x32x512xf32, #tpu.memory_space<hbm>>
        %dma_start3A_140 = tpu.memref_squeeze %dma_start3A_139 : memref<1x1x32x512xf32, #tpu.memory_space<hbm>> -> memref<32x512xf32, #tpu.memory_space<hbm>>
        tpu.enqueue_dma source(%dma_start3A_140 : memref<32x512xf32, #tpu.memory_space<hbm>>) target(%arg9 : memref<32x512xf32, #tpu.memory_space<vmem>>) target_semaphore(%arg13 : memref<!tpu.dma_semaphore, #tpu.memory_space<semaphore_mem>>)
      } else {
      }
    }
    %scan3A_49 = arith.constant 32 : i32
    "tpu.region"() ({
      %run_scoped3A = tpu.sem_alloc : memref<!tpu.dma_semaphore, #tpu.memory_space<semaphore_mem>>
      %dma_start3A_50 = arith.constant 0 : i32
      %dma_start3A_51 = tpu.memref_slice %arg5[%add3A, %dma_start3A_50] : memref<32x16384xf32, #tpu.memory_space<hbm>> -> memref<1x16384xf32, #tpu.memory_space<hbm>>
      %dma_start3A_52 = tpu.memref_squeeze %dma_start3A_51 : memref<1x16384xf32, #tpu.memory_space<hbm>> -> memref<16384xf32, #tpu.memory_space<hbm>>
      %dma_start3A_53 = arith.constant 0 : i32
      %dma_start3A_54 = tpu.memref_slice %arg5[%add3A, %dma_start3A_53] : memref<32x16384xf32, #tpu.memory_space<hbm>> -> memref<1x16384xf32, #tpu.memory_space<hbm>>
      %dma_start3A_55 = tpu.memref_squeeze %dma_start3A_54 : memref<1x16384xf32, #tpu.memory_space<hbm>> -> memref<16384xf32, #tpu.memory_space<hbm>>
      tpu.enqueue_dma source(%arg11 : memref<16384xf32, #tpu.memory_space<vmem>>) target(%dma_start3A_55 : memref<16384xf32, #tpu.memory_space<hbm>>) target_semaphore(%run_scoped3A : memref<!tpu.dma_semaphore, #tpu.memory_space<semaphore_mem>>)
      %dma_wait3A = arith.constant 0 : i32
      %dma_wait3A_56 = tpu.memref_slice %arg5[%add3A, %dma_wait3A] : memref<32x16384xf32, #tpu.memory_space<hbm>> -> memref<1x16384xf32, #tpu.memory_space<hbm>>
      %dma_wait3A_57 = tpu.memref_squeeze %dma_wait3A_56 : memref<1x16384xf32, #tpu.memory_space<hbm>> -> memref<16384xf32, #tpu.memory_space<hbm>>
      %dma_wait3A_58 = arith.constant 0 : i32
      %dma_wait3A_59 = tpu.memref_slice %arg5[%add3A, %dma_wait3A_58] : memref<32x16384xf32, #tpu.memory_space<hbm>> -> memref<1x16384xf32, #tpu.memory_space<hbm>>
      %dma_wait3A_60 = tpu.memref_squeeze %dma_wait3A_59 : memref<1x16384xf32, #tpu.memory_space<hbm>> -> memref<16384xf32, #tpu.memory_space<hbm>>
      tpu.wait_dma2 semaphore(%run_scoped3A : memref<!tpu.dma_semaphore, #tpu.memory_space<semaphore_mem>>) src(%arg11 : memref<16384xf32, #tpu.memory_space<vmem>>) dst(%dma_wait3A_60 : memref<16384xf32, #tpu.memory_space<hbm>>)
      tpu.yield
    }) : () -> ()
    return
  }
}

module attributes {stable_mosaic.version = 14 : i64} {
  func.func @_select_body(%arg0: memref<32x16384xf32, #tpu.memory_space<vmem>>, %arg1: memref<1x1xf32, #tpu.memory_space<smem>>) attributes {dimension_semantics = [], scalar_prefetch = 0 : i64, scratch_operands = 0 : i64, tpu.core_type = #tpu.core_type<tc>} {
    %get3A = arith.constant 0 : index
    %get3A_0 = arith.constant 0 : index
    %get3A_1 = vector.load %arg0[%get3A, %get3A_0] : memref<32x16384xf32, #tpu.memory_space<vmem>>, vector<32x16384xf32>
    %reduce_sum3A = arith.constant dense<0.000000e+00> : vector<16384xf32>
    %reduce_sum3A_2 = vector.multi_reduction <add>, %get3A_1, %reduce_sum3A [0] : vector<32x16384xf32> to vector<16384xf32>
    %broadcast_in_dim3A = vector.shape_cast %reduce_sum3A_2 : vector<16384xf32> to vector<1x16384xf32>
    %iota3A = tpu.iota {dimensions = array<i32: 1>} : vector<1x16384xi32>
    %shift_left3A = arith.constant 18 : i32
    %shift_left3A_3 = vector.broadcast %shift_left3A : i32 to vector<1x16384xi32>
    %shift_left3A_4 = arith.shli %iota3A, %shift_left3A_3 : vector<1x16384xi32>
    %bitcast_convert_type3A = tpu.bitcast %shift_left3A_4 : vector<1x16384xi32> -> vector<1x16384xf32>
    %add3A = arith.constant 1 : i32
    %add3A_5 = vector.broadcast %add3A : i32 to vector<1x16384xi32>
    %add3A_6 = arith.addi %iota3A, %add3A_5 : vector<1x16384xi32>
    %shift_left3A_7 = arith.constant 18 : i32
    %shift_left3A_8 = vector.broadcast %shift_left3A_7 : i32 to vector<1x16384xi32>
    %shift_left3A_9 = arith.shli %add3A_6, %shift_left3A_8 : vector<1x16384xi32>
    %min3A = arith.constant 2139095039 : i32
    %min3A_10 = vector.broadcast %min3A : i32 to vector<1x16384xi32>
    %min3A_11 = arith.minsi %shift_left3A_9, %min3A_10 : vector<1x16384xi32>
    %bitcast_convert_type3A_12 = tpu.bitcast %min3A_11 : vector<1x16384xi32> -> vector<1x16384xf32>
    %add3A_13 = arith.addf %bitcast_convert_type3A, %bitcast_convert_type3A_12 : vector<1x16384xf32>
    %mul3A = arith.constant 5.000000e-01 : f32
    %mul3A_14 = vector.broadcast %mul3A : f32 to vector<1x16384xf32>
    %mul3A_15 = arith.mulf %add3A_13, %mul3A_14 : vector<1x16384xf32>
    %max3A = arith.constant 9.99999991E-38 : f32
    %max3A_16 = vector.broadcast %max3A : f32 to vector<1x16384xf32>
    %max3A_17 = arith.maximumf %mul3A_15, %max3A_16 : vector<1x16384xf32>
    %gt3A = arith.constant 0.000000e+00 : f32
    %gt3A_18 = vector.broadcast %gt3A : f32 to vector<1x16384xf32>
    %gt3A_19 = arith.cmpf ogt, %broadcast_in_dim3A, %gt3A_18 : vector<1x16384xf32>
    %div3A = arith.divf %broadcast_in_dim3A, %max3A_17 : vector<1x16384xf32>
    %jit3A = arith.constant 0.000000e+00 : f32
    %broadcast_in_dim3A_20 = vector.broadcast %jit3A : f32 to vector<1x16384xf32>
    %select_n3A = arith.select %gt3A_19, %div3A, %broadcast_in_dim3A_20 : vector<1x16384xi1>, vector<1x16384xf32>
    %reduce_sum3A_21 = vector.shape_cast %select_n3A : vector<1x16384xf32> to vector<1x1x16384xf32>
    %reduce_sum3A_22 = arith.constant dense<0.000000e+00> : vector<1xf32>
    %reduce_sum3A_23 = vector.multi_reduction <add>, %reduce_sum3A_21, %reduce_sum3A_22 [1, 2] : vector<1x1x16384xf32> to vector<1xf32>
    %reduce_sum3A_24 = vector.shape_cast %reduce_sum3A_23 : vector<1xf32> to vector<1x1x1xf32>
    %reduce_sum3A_25 = vector.extract %reduce_sum3A_24[0, 0, 0] : f32 from vector<1x1x1xf32>
    %max3A_26 = arith.constant 1.000000e+00 : f32
    %max3A_27 = arith.maximumf %reduce_sum3A_25, %max3A_26 : f32
    %div3A_28 = arith.constant 0x4C000000 : f32
    %div3A_29 = arith.divf %div3A_28, %max3A_27 : f32
    %mul3A_30 = vector.broadcast %div3A_29 : f32 to vector<1x16384xf32>
    %mul3A_31 = arith.mulf %select_n3A, %mul3A_30 : vector<1x16384xf32>
    %ge3A = arith.constant 1 : i32
    %ge3A_32 = vector.broadcast %ge3A : i32 to vector<1x16384xi32>
    %ge3A_33 = arith.cmpi sge, %iota3A, %ge3A_32 : vector<1x16384xi32>
    %roll3A = arith.constant 1 : i32
    %roll3A_34 = tpu.dynamic_rotate %mul3A_31 by %roll3A dim 1 : vector<1x16384xf32>, i32 -> vector<1x16384xf32>
    %jit3A_35 = arith.constant 0.000000e+00 : f32
    %broadcast_in_dim3A_36 = vector.broadcast %jit3A_35 : f32 to vector<1x16384xf32>
    %select_n3A_37 = arith.select %ge3A_33, %roll3A_34, %broadcast_in_dim3A_36 : vector<1x16384xi1>, vector<1x16384xf32>
    %add3A_38 = arith.addf %mul3A_31, %select_n3A_37 : vector<1x16384xf32>
    %roll3A_39 = arith.constant 1 : i32
    %roll3A_40 = tpu.dynamic_rotate %broadcast_in_dim3A by %roll3A_39 dim 1 : vector<1x16384xf32>, i32 -> vector<1x16384xf32>
    %jit3A_41 = arith.constant 0.000000e+00 : f32
    %broadcast_in_dim3A_42 = vector.broadcast %jit3A_41 : f32 to vector<1x16384xf32>
    %select_n3A_43 = arith.select %ge3A_33, %roll3A_40, %broadcast_in_dim3A_42 : vector<1x16384xi1>, vector<1x16384xf32>
    %add3A_44 = arith.addf %broadcast_in_dim3A, %select_n3A_43 : vector<1x16384xf32>
    %ge3A_45 = arith.constant 2 : i32
    %ge3A_46 = vector.broadcast %ge3A_45 : i32 to vector<1x16384xi32>
    %ge3A_47 = arith.cmpi sge, %iota3A, %ge3A_46 : vector<1x16384xi32>
    %roll3A_48 = arith.constant 2 : i32
    %roll3A_49 = tpu.dynamic_rotate %add3A_38 by %roll3A_48 dim 1 : vector<1x16384xf32>, i32 -> vector<1x16384xf32>
    %jit3A_50 = arith.constant 0.000000e+00 : f32
    %broadcast_in_dim3A_51 = vector.broadcast %jit3A_50 : f32 to vector<1x16384xf32>
    %select_n3A_52 = arith.select %ge3A_47, %roll3A_49, %broadcast_in_dim3A_51 : vector<1x16384xi1>, vector<1x16384xf32>
    %add3A_53 = arith.addf %add3A_38, %select_n3A_52 : vector<1x16384xf32>
    %roll3A_54 = arith.constant 2 : i32
    %roll3A_55 = tpu.dynamic_rotate %add3A_44 by %roll3A_54 dim 1 : vector<1x16384xf32>, i32 -> vector<1x16384xf32>
    %jit3A_56 = arith.constant 0.000000e+00 : f32
    %broadcast_in_dim3A_57 = vector.broadcast %jit3A_56 : f32 to vector<1x16384xf32>
    %select_n3A_58 = arith.select %ge3A_47, %roll3A_55, %broadcast_in_dim3A_57 : vector<1x16384xi1>, vector<1x16384xf32>
    %add3A_59 = arith.addf %add3A_44, %select_n3A_58 : vector<1x16384xf32>
    %ge3A_60 = arith.constant 4 : i32
    %ge3A_61 = vector.broadcast %ge3A_60 : i32 to vector<1x16384xi32>
    %ge3A_62 = arith.cmpi sge, %iota3A, %ge3A_61 : vector<1x16384xi32>
    %roll3A_63 = arith.constant 4 : i32
    %roll3A_64 = tpu.dynamic_rotate %add3A_53 by %roll3A_63 dim 1 : vector<1x16384xf32>, i32 -> vector<1x16384xf32>
    %jit3A_65 = arith.constant 0.000000e+00 : f32
    %broadcast_in_dim3A_66 = vector.broadcast %jit3A_65 : f32 to vector<1x16384xf32>
    %select_n3A_67 = arith.select %ge3A_62, %roll3A_64, %broadcast_in_dim3A_66 : vector<1x16384xi1>, vector<1x16384xf32>
    %add3A_68 = arith.addf %add3A_53, %select_n3A_67 : vector<1x16384xf32>
    %roll3A_69 = arith.constant 4 : i32
    %roll3A_70 = tpu.dynamic_rotate %add3A_59 by %roll3A_69 dim 1 : vector<1x16384xf32>, i32 -> vector<1x16384xf32>
    %jit3A_71 = arith.constant 0.000000e+00 : f32
    %broadcast_in_dim3A_72 = vector.broadcast %jit3A_71 : f32 to vector<1x16384xf32>
    %select_n3A_73 = arith.select %ge3A_62, %roll3A_70, %broadcast_in_dim3A_72 : vector<1x16384xi1>, vector<1x16384xf32>
    %add3A_74 = arith.addf %add3A_59, %select_n3A_73 : vector<1x16384xf32>
    %ge3A_75 = arith.constant 8 : i32
    %ge3A_76 = vector.broadcast %ge3A_75 : i32 to vector<1x16384xi32>
    %ge3A_77 = arith.cmpi sge, %iota3A, %ge3A_76 : vector<1x16384xi32>
    %roll3A_78 = arith.constant 8 : i32
    %roll3A_79 = tpu.dynamic_rotate %add3A_68 by %roll3A_78 dim 1 : vector<1x16384xf32>, i32 -> vector<1x16384xf32>
    %jit3A_80 = arith.constant 0.000000e+00 : f32
    %broadcast_in_dim3A_81 = vector.broadcast %jit3A_80 : f32 to vector<1x16384xf32>
    %select_n3A_82 = arith.select %ge3A_77, %roll3A_79, %broadcast_in_dim3A_81 : vector<1x16384xi1>, vector<1x16384xf32>
    %add3A_83 = arith.addf %add3A_68, %select_n3A_82 : vector<1x16384xf32>
    %roll3A_84 = arith.constant 8 : i32
    %roll3A_85 = tpu.dynamic_rotate %add3A_74 by %roll3A_84 dim 1 : vector<1x16384xf32>, i32 -> vector<1x16384xf32>
    %jit3A_86 = arith.constant 0.000000e+00 : f32
    %broadcast_in_dim3A_87 = vector.broadcast %jit3A_86 : f32 to vector<1x16384xf32>
    %select_n3A_88 = arith.select %ge3A_77, %roll3A_85, %broadcast_in_dim3A_87 : vector<1x16384xi1>, vector<1x16384xf32>
    %add3A_89 = arith.addf %add3A_74, %select_n3A_88 : vector<1x16384xf32>
    %ge3A_90 = arith.constant 16 : i32
    %ge3A_91 = vector.broadcast %ge3A_90 : i32 to vector<1x16384xi32>
    %ge3A_92 = arith.cmpi sge, %iota3A, %ge3A_91 : vector<1x16384xi32>
    %roll3A_93 = arith.constant 16 : i32
    %roll3A_94 = tpu.dynamic_rotate %add3A_83 by %roll3A_93 dim 1 : vector<1x16384xf32>, i32 -> vector<1x16384xf32>
    %jit3A_95 = arith.constant 0.000000e+00 : f32
    %broadcast_in_dim3A_96 = vector.broadcast %jit3A_95 : f32 to vector<1x16384xf32>
    %select_n3A_97 = arith.select %ge3A_92, %roll3A_94, %broadcast_in_dim3A_96 : vector<1x16384xi1>, vector<1x16384xf32>
    %add3A_98 = arith.addf %add3A_83, %select_n3A_97 : vector<1x16384xf32>
    %roll3A_99 = arith.constant 16 : i32
    %roll3A_100 = tpu.dynamic_rotate %add3A_89 by %roll3A_99 dim 1 : vector<1x16384xf32>, i32 -> vector<1x16384xf32>
    %jit3A_101 = arith.constant 0.000000e+00 : f32
    %broadcast_in_dim3A_102 = vector.broadcast %jit3A_101 : f32 to vector<1x16384xf32>
    %select_n3A_103 = arith.select %ge3A_92, %roll3A_100, %broadcast_in_dim3A_102 : vector<1x16384xi1>, vector<1x16384xf32>
    %add3A_104 = arith.addf %add3A_89, %select_n3A_103 : vector<1x16384xf32>
    %ge3A_105 = arith.constant 32 : i32
    %ge3A_106 = vector.broadcast %ge3A_105 : i32 to vector<1x16384xi32>
    %ge3A_107 = arith.cmpi sge, %iota3A, %ge3A_106 : vector<1x16384xi32>
    %roll3A_108 = arith.constant 32 : i32
    %roll3A_109 = tpu.dynamic_rotate %add3A_98 by %roll3A_108 dim 1 : vector<1x16384xf32>, i32 -> vector<1x16384xf32>
    %jit3A_110 = arith.constant 0.000000e+00 : f32
    %broadcast_in_dim3A_111 = vector.broadcast %jit3A_110 : f32 to vector<1x16384xf32>
    %select_n3A_112 = arith.select %ge3A_107, %roll3A_109, %broadcast_in_dim3A_111 : vector<1x16384xi1>, vector<1x16384xf32>
    %add3A_113 = arith.addf %add3A_98, %select_n3A_112 : vector<1x16384xf32>
    %roll3A_114 = arith.constant 32 : i32
    %roll3A_115 = tpu.dynamic_rotate %add3A_104 by %roll3A_114 dim 1 : vector<1x16384xf32>, i32 -> vector<1x16384xf32>
    %jit3A_116 = arith.constant 0.000000e+00 : f32
    %broadcast_in_dim3A_117 = vector.broadcast %jit3A_116 : f32 to vector<1x16384xf32>
    %select_n3A_118 = arith.select %ge3A_107, %roll3A_115, %broadcast_in_dim3A_117 : vector<1x16384xi1>, vector<1x16384xf32>
    %add3A_119 = arith.addf %add3A_104, %select_n3A_118 : vector<1x16384xf32>
    %ge3A_120 = arith.constant 64 : i32
    %ge3A_121 = vector.broadcast %ge3A_120 : i32 to vector<1x16384xi32>
    %ge3A_122 = arith.cmpi sge, %iota3A, %ge3A_121 : vector<1x16384xi32>
    %roll3A_123 = arith.constant 64 : i32
    %roll3A_124 = tpu.dynamic_rotate %add3A_113 by %roll3A_123 dim 1 : vector<1x16384xf32>, i32 -> vector<1x16384xf32>
    %jit3A_125 = arith.constant 0.000000e+00 : f32
    %broadcast_in_dim3A_126 = vector.broadcast %jit3A_125 : f32 to vector<1x16384xf32>
    %select_n3A_127 = arith.select %ge3A_122, %roll3A_124, %broadcast_in_dim3A_126 : vector<1x16384xi1>, vector<1x16384xf32>
    %add3A_128 = arith.addf %add3A_113, %select_n3A_127 : vector<1x16384xf32>
    %roll3A_129 = arith.constant 64 : i32
    %roll3A_130 = tpu.dynamic_rotate %add3A_119 by %roll3A_129 dim 1 : vector<1x16384xf32>, i32 -> vector<1x16384xf32>
    %jit3A_131 = arith.constant 0.000000e+00 : f32
    %broadcast_in_dim3A_132 = vector.broadcast %jit3A_131 : f32 to vector<1x16384xf32>
    %select_n3A_133 = arith.select %ge3A_122, %roll3A_130, %broadcast_in_dim3A_132 : vector<1x16384xi1>, vector<1x16384xf32>
    %add3A_134 = arith.addf %add3A_119, %select_n3A_133 : vector<1x16384xf32>
    %ge3A_135 = arith.constant 128 : i32
    %ge3A_136 = vector.broadcast %ge3A_135 : i32 to vector<1x16384xi32>
    %ge3A_137 = arith.cmpi sge, %iota3A, %ge3A_136 : vector<1x16384xi32>
    %roll3A_138 = arith.constant 128 : i32
    %roll3A_139 = tpu.dynamic_rotate %add3A_128 by %roll3A_138 dim 1 : vector<1x16384xf32>, i32 -> vector<1x16384xf32>
    %jit3A_140 = arith.constant 0.000000e+00 : f32
    %broadcast_in_dim3A_141 = vector.broadcast %jit3A_140 : f32 to vector<1x16384xf32>
    %select_n3A_142 = arith.select %ge3A_137, %roll3A_139, %broadcast_in_dim3A_141 : vector<1x16384xi1>, vector<1x16384xf32>
    %add3A_143 = arith.addf %add3A_128, %select_n3A_142 : vector<1x16384xf32>
    %roll3A_144 = arith.constant 128 : i32
    %roll3A_145 = tpu.dynamic_rotate %add3A_134 by %roll3A_144 dim 1 : vector<1x16384xf32>, i32 -> vector<1x16384xf32>
    %jit3A_146 = arith.constant 0.000000e+00 : f32
    %broadcast_in_dim3A_147 = vector.broadcast %jit3A_146 : f32 to vector<1x16384xf32>
    %select_n3A_148 = arith.select %ge3A_137, %roll3A_145, %broadcast_in_dim3A_147 : vector<1x16384xi1>, vector<1x16384xf32>
    %add3A_149 = arith.addf %add3A_134, %select_n3A_148 : vector<1x16384xf32>
    %ge3A_150 = arith.constant 256 : i32
    %ge3A_151 = vector.broadcast %ge3A_150 : i32 to vector<1x16384xi32>
    %ge3A_152 = arith.cmpi sge, %iota3A, %ge3A_151 : vector<1x16384xi32>
    %roll3A_153 = arith.constant 256 : i32
    %roll3A_154 = tpu.dynamic_rotate %add3A_143 by %roll3A_153 dim 1 : vector<1x16384xf32>, i32 -> vector<1x16384xf32>
    %jit3A_155 = arith.constant 0.000000e+00 : f32
    %broadcast_in_dim3A_156 = vector.broadcast %jit3A_155 : f32 to vector<1x16384xf32>
    %select_n3A_157 = arith.select %ge3A_152, %roll3A_154, %broadcast_in_dim3A_156 : vector<1x16384xi1>, vector<1x16384xf32>
    %add3A_158 = arith.addf %add3A_143, %select_n3A_157 : vector<1x16384xf32>
    %roll3A_159 = arith.constant 256 : i32
    %roll3A_160 = tpu.dynamic_rotate %add3A_149 by %roll3A_159 dim 1 : vector<1x16384xf32>, i32 -> vector<1x16384xf32>
    %jit3A_161 = arith.constant 0.000000e+00 : f32
    %broadcast_in_dim3A_162 = vector.broadcast %jit3A_161 : f32 to vector<1x16384xf32>
    %select_n3A_163 = arith.select %ge3A_152, %roll3A_160, %broadcast_in_dim3A_162 : vector<1x16384xi1>, vector<1x16384xf32>
    %add3A_164 = arith.addf %add3A_149, %select_n3A_163 : vector<1x16384xf32>
    %ge3A_165 = arith.constant 512 : i32
    %ge3A_166 = vector.broadcast %ge3A_165 : i32 to vector<1x16384xi32>
    %ge3A_167 = arith.cmpi sge, %iota3A, %ge3A_166 : vector<1x16384xi32>
    %roll3A_168 = arith.constant 512 : i32
    %roll3A_169 = tpu.dynamic_rotate %add3A_158 by %roll3A_168 dim 1 : vector<1x16384xf32>, i32 -> vector<1x16384xf32>
    %jit3A_170 = arith.constant 0.000000e+00 : f32
    %broadcast_in_dim3A_171 = vector.broadcast %jit3A_170 : f32 to vector<1x16384xf32>
    %select_n3A_172 = arith.select %ge3A_167, %roll3A_169, %broadcast_in_dim3A_171 : vector<1x16384xi1>, vector<1x16384xf32>
    %add3A_173 = arith.addf %add3A_158, %select_n3A_172 : vector<1x16384xf32>
    %roll3A_174 = arith.constant 512 : i32
    %roll3A_175 = tpu.dynamic_rotate %add3A_164 by %roll3A_174 dim 1 : vector<1x16384xf32>, i32 -> vector<1x16384xf32>
    %jit3A_176 = arith.constant 0.000000e+00 : f32
    %broadcast_in_dim3A_177 = vector.broadcast %jit3A_176 : f32 to vector<1x16384xf32>
    %select_n3A_178 = arith.select %ge3A_167, %roll3A_175, %broadcast_in_dim3A_177 : vector<1x16384xi1>, vector<1x16384xf32>
    %add3A_179 = arith.addf %add3A_164, %select_n3A_178 : vector<1x16384xf32>
    %ge3A_180 = arith.constant 1024 : i32
    %ge3A_181 = vector.broadcast %ge3A_180 : i32 to vector<1x16384xi32>
    %ge3A_182 = arith.cmpi sge, %iota3A, %ge3A_181 : vector<1x16384xi32>
    %roll3A_183 = arith.constant 1024 : i32
    %roll3A_184 = tpu.dynamic_rotate %add3A_173 by %roll3A_183 dim 1 : vector<1x16384xf32>, i32 -> vector<1x16384xf32>
    %jit3A_185 = arith.constant 0.000000e+00 : f32
    %broadcast_in_dim3A_186 = vector.broadcast %jit3A_185 : f32 to vector<1x16384xf32>
    %select_n3A_187 = arith.select %ge3A_182, %roll3A_184, %broadcast_in_dim3A_186 : vector<1x16384xi1>, vector<1x16384xf32>
    %add3A_188 = arith.addf %add3A_173, %select_n3A_187 : vector<1x16384xf32>
    %roll3A_189 = arith.constant 1024 : i32
    %roll3A_190 = tpu.dynamic_rotate %add3A_179 by %roll3A_189 dim 1 : vector<1x16384xf32>, i32 -> vector<1x16384xf32>
    %jit3A_191 = arith.constant 0.000000e+00 : f32
    %broadcast_in_dim3A_192 = vector.broadcast %jit3A_191 : f32 to vector<1x16384xf32>
    %select_n3A_193 = arith.select %ge3A_182, %roll3A_190, %broadcast_in_dim3A_192 : vector<1x16384xi1>, vector<1x16384xf32>
    %add3A_194 = arith.addf %add3A_179, %select_n3A_193 : vector<1x16384xf32>
    %ge3A_195 = arith.constant 2048 : i32
    %ge3A_196 = vector.broadcast %ge3A_195 : i32 to vector<1x16384xi32>
    %ge3A_197 = arith.cmpi sge, %iota3A, %ge3A_196 : vector<1x16384xi32>
    %roll3A_198 = arith.constant 2048 : i32
    %roll3A_199 = tpu.dynamic_rotate %add3A_188 by %roll3A_198 dim 1 : vector<1x16384xf32>, i32 -> vector<1x16384xf32>
    %jit3A_200 = arith.constant 0.000000e+00 : f32
    %broadcast_in_dim3A_201 = vector.broadcast %jit3A_200 : f32 to vector<1x16384xf32>
    %select_n3A_202 = arith.select %ge3A_197, %roll3A_199, %broadcast_in_dim3A_201 : vector<1x16384xi1>, vector<1x16384xf32>
    %add3A_203 = arith.addf %add3A_188, %select_n3A_202 : vector<1x16384xf32>
    %roll3A_204 = arith.constant 2048 : i32
    %roll3A_205 = tpu.dynamic_rotate %add3A_194 by %roll3A_204 dim 1 : vector<1x16384xf32>, i32 -> vector<1x16384xf32>
    %jit3A_206 = arith.constant 0.000000e+00 : f32
    %broadcast_in_dim3A_207 = vector.broadcast %jit3A_206 : f32 to vector<1x16384xf32>
    %select_n3A_208 = arith.select %ge3A_197, %roll3A_205, %broadcast_in_dim3A_207 : vector<1x16384xi1>, vector<1x16384xf32>
    %add3A_209 = arith.addf %add3A_194, %select_n3A_208 : vector<1x16384xf32>
    %ge3A_210 = arith.constant 4096 : i32
    %ge3A_211 = vector.broadcast %ge3A_210 : i32 to vector<1x16384xi32>
    %ge3A_212 = arith.cmpi sge, %iota3A, %ge3A_211 : vector<1x16384xi32>
    %roll3A_213 = arith.constant 4096 : i32
    %roll3A_214 = tpu.dynamic_rotate %add3A_203 by %roll3A_213 dim 1 : vector<1x16384xf32>, i32 -> vector<1x16384xf32>
    %jit3A_215 = arith.constant 0.000000e+00 : f32
    %broadcast_in_dim3A_216 = vector.broadcast %jit3A_215 : f32 to vector<1x16384xf32>
    %select_n3A_217 = arith.select %ge3A_212, %roll3A_214, %broadcast_in_dim3A_216 : vector<1x16384xi1>, vector<1x16384xf32>
    %add3A_218 = arith.addf %add3A_203, %select_n3A_217 : vector<1x16384xf32>
    %roll3A_219 = arith.constant 4096 : i32
    %roll3A_220 = tpu.dynamic_rotate %add3A_209 by %roll3A_219 dim 1 : vector<1x16384xf32>, i32 -> vector<1x16384xf32>
    %jit3A_221 = arith.constant 0.000000e+00 : f32
    %broadcast_in_dim3A_222 = vector.broadcast %jit3A_221 : f32 to vector<1x16384xf32>
    %select_n3A_223 = arith.select %ge3A_212, %roll3A_220, %broadcast_in_dim3A_222 : vector<1x16384xi1>, vector<1x16384xf32>
    %add3A_224 = arith.addf %add3A_209, %select_n3A_223 : vector<1x16384xf32>
    %ge3A_225 = arith.constant 8192 : i32
    %ge3A_226 = vector.broadcast %ge3A_225 : i32 to vector<1x16384xi32>
    %ge3A_227 = arith.cmpi sge, %iota3A, %ge3A_226 : vector<1x16384xi32>
    %roll3A_228 = arith.constant 8192 : i32
    %roll3A_229 = tpu.dynamic_rotate %add3A_218 by %roll3A_228 dim 1 : vector<1x16384xf32>, i32 -> vector<1x16384xf32>
    %jit3A_230 = arith.constant 0.000000e+00 : f32
    %broadcast_in_dim3A_231 = vector.broadcast %jit3A_230 : f32 to vector<1x16384xf32>
    %select_n3A_232 = arith.select %ge3A_227, %roll3A_229, %broadcast_in_dim3A_231 : vector<1x16384xi1>, vector<1x16384xf32>
    %add3A_233 = arith.addf %add3A_218, %select_n3A_232 : vector<1x16384xf32>
    %roll3A_234 = arith.constant 8192 : i32
    %roll3A_235 = tpu.dynamic_rotate %add3A_224 by %roll3A_234 dim 1 : vector<1x16384xf32>, i32 -> vector<1x16384xf32>
    %jit3A_236 = arith.constant 0.000000e+00 : f32
    %broadcast_in_dim3A_237 = vector.broadcast %jit3A_236 : f32 to vector<1x16384xf32>
    %select_n3A_238 = arith.select %ge3A_227, %roll3A_235, %broadcast_in_dim3A_237 : vector<1x16384xi1>, vector<1x16384xf32>
    %add3A_239 = arith.addf %add3A_224, %select_n3A_238 : vector<1x16384xf32>
    %reduce_sum3A_240 = arith.constant dense<0.000000e+00> : vector<1xf32>
    %reduce_sum3A_241 = vector.multi_reduction <add>, %mul3A_31, %reduce_sum3A_240 [1] : vector<1x16384xf32> to vector<1xf32>
    %broadcast_in_dim3A_242 = vector.shape_cast %reduce_sum3A_241 : vector<1xf32> to vector<1x1xf32>
    %reduce_sum3A_243 = arith.constant dense<0.000000e+00> : vector<1xf32>
    %reduce_sum3A_244 = vector.multi_reduction <add>, %broadcast_in_dim3A, %reduce_sum3A_243 [1] : vector<1x16384xf32> to vector<1xf32>
    %broadcast_in_dim3A_245 = vector.shape_cast %reduce_sum3A_244 : vector<1xf32> to vector<1x1xf32>
    %sub3A = vector.broadcast %broadcast_in_dim3A_242 : vector<1x1xf32> to vector<1x16384xf32>
    %sub3A_246 = arith.subf %sub3A, %add3A_233 : vector<1x16384xf32>
    %sub3A_247 = vector.broadcast %broadcast_in_dim3A_245 : vector<1x1xf32> to vector<1x16384xf32>
    %sub3A_248 = arith.subf %sub3A_247, %add3A_239 : vector<1x16384xf32>
    %lt3A = arith.constant 0x4B800000 : f32
    %lt3A_249 = vector.broadcast %lt3A : f32 to vector<1x16384xf32>
    %lt3A_250 = arith.cmpf olt, %sub3A_246, %lt3A_249 : vector<1x16384xf32>
    %add3A_251 = arith.addf %sub3A_246, %mul3A_31 : vector<1x16384xf32>
    %ge3A_252 = arith.constant 0x4B800000 : f32
    %ge3A_253 = vector.broadcast %ge3A_252 : f32 to vector<1x16384xf32>
    %ge3A_254 = arith.cmpf oge, %add3A_251, %ge3A_253 : vector<1x16384xf32>
    %and3A = arith.andi %lt3A_250, %ge3A_254 : vector<1x16384xi1>
    %max3A_255 = arith.constant 1.000000e+00 : f32
    %max3A_256 = vector.broadcast %max3A_255 : f32 to vector<1x16384xf32>
    %max3A_257 = arith.maximumf %mul3A_31, %max3A_256 : vector<1x16384xf32>
    %div3A_258 = arith.divf %broadcast_in_dim3A, %max3A_257 : vector<1x16384xf32>
    %sub3A_259 = arith.constant 0x4B800000 : f32
    %sub3A_260 = vector.broadcast %sub3A_259 : f32 to vector<1x16384xf32>
    %sub3A_261 = arith.subf %sub3A_260, %sub3A_246 : vector<1x16384xf32>
    %mul3A_262 = arith.mulf %sub3A_261, %div3A_258 : vector<1x16384xf32>
    %add3A_263 = arith.addf %sub3A_248, %mul3A_262 : vector<1x16384xf32>
    %jit3A_264 = arith.constant 0.000000e+00 : f32
    %broadcast_in_dim3A_265 = vector.broadcast %jit3A_264 : f32 to vector<1x16384xf32>
    %select_n3A_266 = arith.select %and3A, %add3A_263, %broadcast_in_dim3A_265 : vector<1x16384xi1>, vector<1x16384xf32>
    %reduce_sum3A_267 = vector.shape_cast %select_n3A_266 : vector<1x16384xf32> to vector<1x1x16384xf32>
    %reduce_sum3A_268 = arith.constant dense<0.000000e+00> : vector<1xf32>
    %reduce_sum3A_269 = vector.multi_reduction <add>, %reduce_sum3A_267, %reduce_sum3A_268 [1, 2] : vector<1x1x16384xf32> to vector<1xf32>
    %reduce_sum3A_270 = vector.shape_cast %reduce_sum3A_269 : vector<1xf32> to vector<1x1x1xf32>
    %reduce_sum3A_271 = vector.extract %reduce_sum3A_270[0, 0, 0] : f32 from vector<1x1x1xf32>
    %div3A_272 = arith.constant 0x4B800000 : f32
    %div3A_273 = arith.divf %reduce_sum3A_271, %div3A_272 : f32
    %swap3A = arith.constant 0 : index
    %swap3A_274 = arith.constant 0 : index
    %swap3A_275 = memref.load %arg1[%swap3A, %swap3A_274] : memref<1x1xf32, #tpu.memory_space<smem>>
    memref.store %div3A_273, %arg1[%swap3A, %swap3A_274] : memref<1x1xf32, #tpu.memory_space<smem>>
    return
  }
}

</mosaic_0001>

<sc_bundles>
// kernel: kernel.4.cloned.1.call-start
scs
__scs_entry_jumppad:
0x0: {  	(pc) =	sbr.rel $0x88, $3  }
0x1: {  	(tag) =	ssettag $0x0;
	lr =	simm.s32 $0x1  }
0x2: {  	[smem:$0x3F9E] =	sst lr;
	_ =	strace $0xD0000000  }
0x3: {  	_ = 	snop  }
0x4: {  	_ = 	snop  }
0x5: {  	_ = 	snop  }
0x6: {  	_ = 	snop  }
0x7: {  	_ = 	snop  }
__scs_overlays_trampoline_lowered:
0x8: {  	[smem:$0x3FAD] =	sst s0  }
0x9: {  	[smem:$0x3FAE] =	sst s1  }
0xa: {  	[smem:$0x3FAF] =	sst s2  }
0xb: {  	[smem:$0x3FB0] =	sst s3  }
0xc: {  	[smem:$0x3FB1] =	sst s4  }
0xd: {  	[smem:$0x3FB2] =	sst s5  }
0xe: {  	[smem:$0x3FB3] =	sst s6  }
0xf: {  	[smem:$0x3FB4] =	sst s7  }
0x10: {  	[smem:$0x3FB5] =	sst s8  }
0x11: {  	[smem:$0x3FB6] =	sst s9;
	s0 =	simm.s32 @!p0 $0x0  }
0x12: {  	s1 =	sld [smem:$0x3F9C];
	s0 =	simm.s32 @p0 $0x1  }
0x13: {  	[smem:$0x3FB7] =	sst s0;
	s0 =	simm.s32 @!p1 $0x0  }
0x14: {  	s2 =	sld [smem:$0x3F9B];
	s0 =	simm.s32 @p1 $0x1  }
0x15: {  	[smem:$0x3FB8] =	sst s0;
	s0 =	simm.s32 @!p2 $0x0  }
0x16: {  	s3 =	sld [smem:$0x3FDB];
	s0 =	simm.s32 @p2 $0x1  }
0x17: {  	s4 =	simm.s32 $0x1BF5;
	[smem:$0x3FBA] =	sst s0  }
0x18: {  	s0 =	sld [smem:$0x3F9D];
	_ =	swait.ge [sflag:s4], $0x0  }
0x19: {  	s7 =	sld [smem:$0x3F9E]  }
0x1a: {  	s8 =	sadd.s32 $0xFFFFE003, lr  }
0x1b: {  	s9 =	sadd.s32 $0xFFFFFEF7, lr;
	s5 =	simm.s32 $0xFFFFFFFF;
	p2 =	slt.u32 s8, $0xFFFFF086  }
0x1c: {  	p1 =	slt.u32 s9, $0xF7A;
	s5 =	simm.s32 @!p2 $0x0  }
0x1d: {  	s5 =	simm.s32 @p1 $0x1;
	p0 =	seq.s32 s7, s2  }
0x1e: {  	s7 =	smul.u32 @!p0 $0xF7A, s2;
	p2 =	seq.s32 @!p0 s5, $0x0  }
0x1f: {  	s9 =	smul.u32 $0xF7A, s1;
	s8 =	simm.s32 @!p0 $0x1BF5;
	p2 =	por !p2, p0  }
0x20: {  	[sflag:s8] =	ssyncset.s32 @!p0 $0xFFFFF086;
	s6 =	sadd.s32 @!p0 s3, s7;
	s7 =	simm.s32 @!p0 $0x108  }
0x21: {  	s3 =	sadd.s32 s3, s9;
	s6 =	sadd.s32 @!p0 $0x88, s6;
	s7 =	simm.s32 @p2 $0x1082  }
0x22: {  	[simem:s7], [sflag:s8] =	dma.local @!p0 [hbm:s6], $0xF7A  }
0x23: {  	s9 =	sor.u32 $0xD0000000, s2;
	s6 =	simm.s32 $0x108;
	_ =	swait.ge @!p0 [sflag:s8], $0x0  }
0x24: {  	s3 =	sadd.s32 $0x88, s3;
	s6 =	simm.s32 @!p1 $0x1082;
	[sflag:s4] =	ssyncset.s32 $0xFFFFF086  }
0x25: {  	[simem:s6], [sflag:s4] =	dma.local [hbm:s3], $0xF7A  }
0x26: {  	[smem:$0x3F9E] =	sst s1;
	(tag) =	ssettag s2;
	_ =	strace s9  }
0x27: {  	s1 =	sld [smem:$0x3FAE]  }
0x28: {  	s2 =	sld [smem:$0x3FAF]  }
0x29: {  	s4 =	sld [smem:$0x3FB1]  }
0x2a: {  	p0 =	seq.s32 s5, $0x0;
	s5 =	sld [smem:$0x3FB2]  }
0x2b: {  	s6 =	sld [smem:$0x3FB3]  }
0x2c: {  	s7 =	sld [smem:$0x3FB4]  }
0x2d: {  	s3 =	simm.s32 $0x108;
	s8 =	sld [smem:$0x3FB5]  }
0x2e: {  	s3 =	simm.s32 @!p0 $0x1082;
	s9 =	sld [smem:$0x3FB6]  }
0x2f: {  	lr =	sadd.s32 s0, s3;
	s0 =	sld [smem:$0x3FAD]  }
0x30: {  	s3 =	sld [smem:$0x3FB0]  }
0x31: {  	[smem:$0x3FB9] =	sst s10  }
0x32: {  	s10 =	sld [smem:$0x3FB7];
	_ =	sdelay $0x3  }
0x33: {  	p0 =	seq.s32 s10, $0x1;
	s10 =	sld [smem:$0x3FB9];
	_ =	sdelay $0x3  }
0x34: {  	[smem:$0x3FB9] =	sst s10  }
0x35: {  	s10 =	sld [smem:$0x3FB8];
	_ =	sdelay $0x3  }
0x36: {  	p1 =	seq.s32 s10, $0x1;
	s10 =	sld [smem:$0x3FB9];
	_ =	sdelay $0x3  }
0x37: {  	[smem:$0x3FB9] =	sst s10  }
0x38: {  	s10 =	sld [smem:$0x3FBA]  }
0x39: {  	_ = 	snop;
	(pc) =	sbr.ind lr, $3  }
0x3a: {  	_ = 	snop  }
0x3b: {  	_ = 	snop  }
0x3c: {  	p2 =	seq.s32 s10, $0x1;
	s10 =	sld [smem:$0x3FB9]  }
0x3d: {  	_ =	shalt  }
0x3e: {  	_ =	shalt  }
0x3f: {  	_ =	shalt  }
0x40: {  	_ =	shalt  }
0x41: {  	_ =	shalt  }
0x42: {  	_ =	shalt  }
0x43: {  	_ =	shalt  }
0x44: {  	_ =	shalt  }
0x45: {  	_ =	shalt  }
0x46: {  	_ =	shalt  }
0x47: {  	_ =	shalt  }
0x48: {  	_ =	shalt  }
0x49: {  	_ =	shalt  }
0x4a: {  	_ =	shalt  }
0x4b: {  	_ =	shalt  }
0x4c: {  	_ =	shalt  }
0x4d: {  	_ =	shalt  }
0x4e: {  	_ =	shalt  }
0x4f: {  	_ =	shalt  }
0x50: {  	_ =	shalt  }
0x51: {  	_ =	shalt  }
0x52: {  	_ =	shalt  }
0x53: {  	_ =	shalt  }
0x54: {  	_ =	shalt  }
0x55: {  	_ =	shalt  }
0x56: {  	_ =	shalt  }
0x57: {  	_ =	shalt  }
0x58: {  	_ =	shalt  }
0x59: {  	_ =	shalt  }
0x5a: {  	_ =	shalt  }
0x5b: {  	_ =	shalt  }
0x5c: {  	_ =	shalt  }
0x5d: {  	_ =	shalt  }
0x5e: {  	_ =	shalt  }
0x5f: {  	_ =	shalt  }
0x60: {  	_ =	shalt  }
0x61: {  	_ =	shalt  }
0x62: {  	_ =	shalt  }
0x63: {  	_ =	shalt  }
0x64: {  	_ =	shalt  }
0x65: {  	_ =	shalt  }
0x66: {  	_ =	shalt  }
0x67: {  	_ =	shalt  }
0x68: {  	_ =	shalt  }
0x69: {  	_ =	shalt  }
0x6a: {  	_ =	shalt  }
0x6b: {  	_ =	shalt  }
0x6c: {  	_ =	shalt  }
0x6d: {  	_ =	shalt  }
0x6e: {  	_ =	shalt  }
0x6f: {  	_ =	shalt  }
0x70: {  	_ =	shalt  }
0x71: {  	_ =	shalt  }
0x72: {  	_ =	shalt  }
0x73: {  	_ =	shalt  }
0x74: {  	_ =	shalt  }
0x75: {  	_ =	shalt  }
0x76: {  	_ =	shalt  }
0x77: {  	_ =	shalt  }
0x78: {  	_ =	shalt  }
0x79: {  	_ =	shalt  }
0x7a: {  	_ =	shalt  }
0x7b: {  	_ =	shalt  }
0x7c: {  	_ =	shalt  }
0x7d: {  	_ =	shalt  }
0x7e: {  	_ =	shalt  }
0x7f: {  	_ =	shalt  }
0x80: {  	_ =	shalt  }
0x81: {  	_ =	shalt  }
0x82: {  	_ =	shalt  }
0x83: {  	_ =	shalt  }
0x84: {  	_ =	shalt  }
0x85: {  	_ =	shalt  }
0x86: {  	_ =	shalt  }
0x87: {  	_ =	shalt  }
.Lfunc_end0:
.L_simem_size_0:
called_computation_lowered:
.L_overlay_start_0:
0x88: {  	s2 =	sld [smem:$0x3FD9]  }
0x89: {  	s3 =	sld [smem:$0x3FFE];
	_ =	sdelay $0x1  }
0x8a: {  	s1 =	srdreg.scid  }
0x8b: {  	s0 =	sand.u32 $0x1, s1  }
0x8c: {  	s17 =	sshll.u32 s0, $0xA;
	s2 =	sadd.s32 s3, s2  }
0x8d: {  	s2 =	sadd.s32 s2, s17  }
0x8e: {  	[smem:$0x3FC5] =	sst s2  }
0x8f: {  	_ = 	snop  }
0x90: {  	s2 =	sld [smem:$0x3FC9]  }
0x91: {  	s18 =	sld [smem:$0x3FC8]  }
0x92: {  	s4 =	sld [smem:$0x3FD0];
	(tm) =	ssettm $0x1  }
0x93: {  	s5 =	sld [smem:$0x3FFB];
	_ =	sdelay $0x3  }
0x94: {  	_ =	strace s5  }
0x95: {  	s5 =	sld [smem:$0x3FFC];
	_ =	sdelay $0x3  }
0x96: {  	_ =	strace s5  }
0x97: {  	s5 =	sld [smem:$0x3FFD];
	_ =	sdelay $0x3  }
0x98: {  	_ =	strace s5  }
0x99: {  	_ =	strace $0x8FFFFFFF  }
0x9a: {  	s19 =	sld [smem:$0x3FDB];
	_ =	sdelay $0x1  }
0x9b: {  	s6 =	simm.s32 $_scs_section_size  }
0x9c: {  	s7 =	simm.s32 $_size__tile_overlayer_lowered;
	s8 =	simm.s32 $_tile_overlayer_lowered  }
0x9d: {  	s22 =	simm.s32 $0x1BFF;
	s21 =	sshll.u32 s8, $0x1;
	s5 =	sadd.s32 s6, s19  }
0x9e: {  	s9 =	simm.s32 $0x0;
	s20 =	sshll.u32 s7, $0x1;
	s7 =	sadd.s32 s21, s5  }
0x9f: {  	[timem:s9], [sflag:s22] =	dma.local [hbm:s7], s20  }
0xa0: {  	_ =	swait.ge [sflag:s22], s20  }
0xa1: {  	s6 =	ssub.s32 $0x0, s20;
	[sflag:s22] =	ssyncset.done $0x0  }
0xa2: {  	[sflag:s22] =	ssyncadd.s32 s6;
	_ =	sdelay $0x1  }
0xa3: {  	s23 =	simm.s32 $0x1B8B  }
0xa4: {  	_ =	swait.ge [sflag:s23], $0x1  }
0xa5: {  	[sflag:s23] =	ssyncset.done $0x0  }
0xa6: {  	s25 =	simm.s32 $0x1B8E;
	s24 =	sld [smem:$0x3FFE];
	[sflag:s23] =	ssyncadd.s32 $0xFFFFFFFF  }
0xa7: {  	s26 =	simm.s32 $execute0_lowered;
	[smem:$0x3FD2] =	sst s25  }
0xa8: {  	s7 =	sshll.u32 s26, $0x1;
	_ =	strace $0x80000046;
	[dreg:$0x1] =	wrdreg $0xFFFFFFFF  }
0xa9: {  	s28 =	simm.s32 $_size_execute0_lowered;
	s5 =	sadd.s32 s5, s7;
	[dreg:$0x0] =	wrdreg $0x0  }
0xaa: {  	s7 =	sshll.u32 s28, $0x1;
	[dreg:$0x2] =	wrdreg s5  }
0xab: {  	[dreg:$0x3] =	wrdreg s7  }
0xac: {  	[dreg:$0x4] =	wrdreg $0xC0  }
0xad: {  	_ =	task [dreg:s9], $0x5FFFF  }
0xae: {  	[dreg:$0x1] =	wrdreg $0xFFFFFFFF  }
0xaf: {  	[dreg:$0x0] =	wrdreg $0x60  }
0xb0: {  	[dreg:$0x2] =	wrdreg s2  }
0xb1: {  	[dreg:$0x3] =	wrdreg s18  }
0xb2: {  	[dreg:$0x4] =	wrdreg s4  }
0xb3: {  	[dreg:$0x5] =	wrdreg s24  }
0xb4: {  	[dreg:$0x6] =	wrdreg $0x9  }
0xb5: {  	_ =	task.clear_ibuf [dreg:s9], $0x7FFFF;
	_ =	strace $0x90000046  }
0xb6: {  	s29 =	simm.s32 $0x9;
	_ =	strace $0x80000048  }
0xb7: {  	_ =	swait.ge [sflag:s29], $0x1  }
0xb8: {  	[sflag:s29] =	ssyncadd.s32 $0xFFFFFFFF  }
0xb9: {  	_ =	strace $0x90000048  }
0xba: {  	_ =	sfence  }
0xbb: {  	s30 =	sld [smem:$0x0];
	_ =	sdelay $0x2  }
0xbc: {  	s31 =	sshll.u32 s1, $0xD;
	s1 =	sshrl.u32 s1, $0x2  }
0xbd: {  	s3 =	sand.u32 $0x4000, s31;
	s1 =	sadd.s32 s1, s30  }
0xbe: {  	s0 =	sor.u32 s3, s0;
	s1 =	sshll.u32 s1, $0x11  }
0xbf: {  	s0 =	sor.u32 s1, s0  }
0xc0: {  	s0 =	sadd.s32 $0x8F2B, s0  }
0xc1: {  	[sflag:s0] =	ssyncadd.remote.s32 $0x1  }
0xc2: {  	_ =	sfence.sel $0xFFFF  }
0xc3: {  	[dreg:$0x0] =	wrdreg $0xFFFFFFFF;
	(pc) =	sbr.abs _section_cstart, $3  }
0xc4: {  	[dreg:$0x1] =	wrdreg $0xFFFFFFFF  }
0xc5: {  	_ =	task.clear_ibuf [dreg:s9], $0x2FFFF;
	_ =	strace $0x9FFFFFFF  }
0xc6: {  	(tm) =	ssettm $0x7FFFFFFF  }
0xc7: {  	_ =	shalt  }
tec
execute0_lowered:
.L_overlay_start_1:
0x0: {  	(tag) =	ssettag $0x1  }
0x1: {  	s1 =	rddreg [dreg:$0x0]  }
0x2: {  	s2 =	rddreg [dreg:$0x1]  }
0x3: {  	s0 =	rddreg [dreg:$0x3]  }
0x4: {  	s5 =	simm.s32 $0x0;
	s7 =	stileid.u32;
	s3 =	srdreg.scid  }
0x5: {  	s14 =	simm.s32 $0x3;
	s16 =	simm.s32 $0x4000;
	s17 =	simm.s32 $0xC000  }
0x6: {  	s18 =	simm.s32 $0x1;
	s19 =	simm.s32 $0x10080;
	s20 =	simm.s32 $0x2  }
0x7: {  	s23 =	simm.s32 $0x0;
	s24 =	simm.s32 $0x0;
	[smem:$0x7FF] =	sst s5  }
0x8: {  	s4 =	sshll.u32 s7, $0xC;
	s3 =	sand.u32 $0x1, s3;
	s7 =	sshll.u32 s7, $0x1  }
0x9: {  	_ =	strace $0x80000047;
	s4 =	sand.u32 $0xC000, s4;
	s6 =	ssub.s32 $0x2, s3  }
0xa: {  	s3 =	sor.u32 s3, s7;
	s0 =	sadd.s32 s4, s0;
	s29 =	sshrl.u32 s6, $0x1  }
.Ltmp0:
0xb: {  	s9 =	sshll.u32 s3, $0x11;
	s8 =	sshll.u32 s3, $0x4;
	(pc) =	sbr.rel .LBB2_1-.Ltmp0, $4  }
0xc: {  	s4 =	ssub.s32 s6, s29;
	s6 =	sshll.u32 s3, $0x14;
	s30 =	sadd.s32 s1, s9  }
0xd: {  	s31 =	sand.u32 $0x70, s8;
	s8 =	sadd.s32 s2, s9;
	s10 =	sor.u32 $0x800, s9  }
0xe: {  	[dreg:$0x5] =	wrdreg s30;
	s0 =	sadd.s32 s31, s0;
	s9 =	sadd.s32 s1, s10  }
0xf: {  	v0 =	vimm.f32 $0.0e+00;
	s10 =	sadd.s32 s2, s10;
	s12 =	smax.u32 s4, $0x1;
	s11 =	sadd.s32 $0x600, s0  }
.LBB2_10:
0x10: {  	s23 =	sadd.s32 $0x1, s23  }
0x11: {  	p0 =	sne.s32 s23, s12  }
.Ltmp1:
0x12: {  	s0 =	simm.s32 $0x80;
	s3 =	simm.s32 $0x400;
	(pc) =	sbr.rel @!p0 .LBB2_11-.Ltmp1, $4  }
0x13: {  	[hbm4b:s11+s0] =	stream.strided.scatter [tilespmem:s19], [sflag:$0x3], $0x4000, s3, s0, $0x38;
	[tilespmem:$0x14080] =	vst v63  }
0x14: {  	_ =	swait.ge [sflag:s14], $0x4000  }
0x15: {  	[sflag:s14] =	ssyncset.done $0x0  }
0x16: {  	[sflag:s14] =	ssyncadd.s32 $0xFFFFC000  }
.LBB2_1:
0x17: {  	s0 =	rddreg [dreg:$0x2];
	s3 =	simm.s32 $0x10000  }
0x18: {  	[tilespmem:s3], [sflag:$0x3] =	stream.linear.gather [hbm4b:s0+s5], $0x80, $0x38;
	[tilespmem:$0x14080] =	vst v63  }
0x19: {  	_ =	swait.ge [sflag:s14], $0x80  }
0x1a: {  	[sflag:s14] =	ssyncset.done $0x0  }
0x1b: {  	s0 =	simm.s32 $0x40;
	s3 =	simm.s32 $0x0;
	[sflag:s14] =	ssyncadd.s32 $0xFFFFFF80  }
.LBB2_2:
0x1c: {  	p0 =	sne.s32 s0, $0xFFC0;
	[tilespmem:s3+$0x10080] =	vst v0;
	s3 =	smov.u32 s0;
	s0 =	sadd.s32 $0x40, s0  }
.Ltmp2:
0x1d: {  	(pc) =	sbr.rel @p0 .LBB2_2-.Ltmp2, $2  }
0x1e: {  	_ =	sdelay $0x2  }
0x1f: {  	s3 =	sshra.s32 s3, $0x2  }
0x20: {  	[tilespmem:s3+$0x10080] =	vst v0;
	s0 =	rddreg [dreg:$0x5]  }
0x21: {  	[tilespmem:s24], [sflag:$0x1] =	stream.linear.gather [hbm4b:s0+s24], $0x4000, $0x38;
	[tilespmem:$0x14080] =	vst v63  }
0x22: {  	s31 =	simm.s32 $0x8000  }
0x23: {  	[tilespmem:s31], [sflag:$0x1] =	stream.linear.gather [hbm4b:s8+s24], $0x4000, $0x38;
	[tilespmem:$0x14080] =	vst v63  }
0x24: {  	_ = 	snop  }
0x25: {  	[tilespmem:s16], [sflag:$0x2] =	stream.linear.gather [hbm4b:s9+s24], $0x4000, $0x38;
	[tilespmem:$0x14080] =	vst v63  }
0x26: {  	s25 =	simm.s32 $0x0  }
0x27: {  	[tilespmem:s17], [sflag:$0x2] =	stream.linear.gather [hbm4b:s10+s24], $0x4000, $0x38;
	[tilespmem:$0x14080] =	vst v63  }
.LBB2_4:
0x28: {  	_ =	swait.ge [sflag:s18], $0x4000  }
0x29: {  	[sflag:s18] =	ssyncset.done $0x0  }
0x2a: {  	[sflag:s18] =	ssyncadd.s32 $0xFFFFC000  }
0x2b: {  	_ =	swait.ge [sflag:s18], $0x4000  }
0x2c: {  	s0 =	sshll.u32 s25, $0x1;
	s3 =	sand.u32 $0xFFFFF000, s24;
	[sflag:s18] =	ssyncset.done $0x0  }
0x2d: {  	s26 =	sand.u32 $0x30, s0;
	s0 =	sadd.s32 $0x0, s3;
	[sflag:s18] =	ssyncadd.s32 $0xFFFFC000  }
0x2e: {  	s28 =	simm.s32 $0x0;
	s4 =	sor.u32 $0xC70, s0;
	v1 =	vld [tilespmem:s26+$0x10000]  }
0x2f: {  	s13 =	sand.u32 $0x380, s24;
	s31 =	sand.u32 $0x3000, s28;
	v2 =	vld [tilespmem:s4+$0x0]  }
0x30: {  	s3 =	sor.u32 s31, s13;
	v3 =	vld [tilespmem:s4+$0x8000]  }
0x31: {  	v4 =	vld [tilespmem:s3+$0x0]  }
0x32: {  	v5 =	vld [tilespmem:s3+$0x8000]  }
0x33: {  	v6 =	vld [tilespmem:s3+$0x10]  }
0x34: {  	v7 =	vld [tilespmem:s3+$0x8010]  }
0x35: {  	v8 =	vld [tilespmem:s3+$0x20]  }
0x36: {  	v9 =	vld [tilespmem:s3+$0x8020]  }
0x37: {  	v10 =	vld [tilespmem:s3+$0x30]  }
0x38: {  	v12 =	vld [tilespmem:s3+$0x40]  }
0x39: {  	v56 =	vld [tilespmem:s3+$0x8040]  }
0x3a: {  	v13 =	vld [tilespmem:s3+$0x50]  }
0x3b: {  	v15 =	vld [tilespmem:s3+$0x8050]  }
0x3c: {  	v16 =	vld [tilespmem:s3+$0x60]  }
0x3d: {  	v17 =	vld [tilespmem:s3+$0x8060]  }
0x3e: {  	v18 =	vld [tilespmem:s3+$0x70]  }
0x3f: {  	v57 =	vld [tilespmem:s3+$0x8070]  }
0x40: {  	v19 =	vld [tilespmem:s3+$0x400]  }
0x41: {  	v20 =	vld [tilespmem:s3+$0x8400]  }
0x42: {  	v21 =	vld [tilespmem:s3+$0x410]  }
0x43: {  	v22 =	vld [tilespmem:s3+$0x8410]  }
0x44: {  	v23 =	vld [tilespmem:s3+$0x420]  }
0x45: {  	v24 =	vld [tilespmem:s3+$0x8420]  }
0x46: {  	v25 =	vld [tilespmem:s3+$0x430]  }
0x47: {  	v26 =	vld [tilespmem:s3+$0x8430]  }
0x48: {  	v27 =	vld [tilespmem:s3+$0x440];
	v2 =	vsub.f32 v2, v3;
	vm0 =	vge.f32 v3, $0.0e+00  }
0x49: {  	v28 =	vld [tilespmem:s3+$0x8440];
	vm10 =	vge.f32 v5, $0.0e+00;
	vm11 =	vge.f32 v7, $0.0e+00;
	vm12 =	vge.f32 v9, $0.0e+00  }
0x4a: {  	v34 =	vld [tilespmem:s3+$0x810];
	v12 =	vsub.f32 v12, v56;
	vm13 =	vge.f32 v56, $0.0e+00;
	v13 =	vsub.f32 v13, v15  }
0x4b: {  	v60 =	vld [tilespmem:s3+$0x8810];
	vm14 =	vge.f32 v15, $0.0e+00;
	v16 =	vsub.f32 v16, v17;
	vm15 =	vge.f32 v17, $0.0e+00  }
0x4c: {  	v29 =	vld [tilespmem:s3+$0x450];
	v18 =	vsub.f32 v18, v57;
	vm4 =	vge.f32 v57, $0.0e+00;
	v19 =	vsub.f32 v19, v20  }
0x4d: {  	v30 =	vld [tilespmem:s3+$0x8460];
	vm5 =	vge.f32 v20, $0.0e+00;
	v21 =	vsub.f32 v21, v22;
	vm6 =	vge.f32 v22, $0.0e+00  }
0x4e: {  	v59 =	vld [tilespmem:s3+$0x470];
	v23 =	vsub.f32 v23, v24;
	vm7 =	vge.f32 v24, $0.0e+00;
	v25 =	vsub.f32 v25, v26  }
0x4f: {  	v32 =	vld [tilespmem:s3+$0x800];
	vm8 =	vge.f32 v26, $0.0e+00;
	v27 =	vsub.f32 v27, v28;
	vm9 =	vge.f32 v28, $0.0e+00  }
0x50: {  	v36 =	vld [tilespmem:s3+$0x820];
	v34 =	vsub.f32 v34, v60;
	v11 =	vnsel vm0, $0x3F800000, v1;
	v33 =	vnsel vm13, $0x3F800000, v1  }
0x51: {  	v40 =	vld [tilespmem:s3+$0x8830];
	v35 =	vnsel vm14, $0x3F800000, v1;
	v37 =	vnsel vm15, $0x3F800000, v1;
	v41 =	vnsel vm4, $0x3F800000, v1  }
0x52: {  	v42 =	vld [tilespmem:s3+$0x8840];
	v44 =	vnsel vm5, $0x3F800000, v1;
	v2 =	vmul.f32 v2, v2;
	v12 =	vmul.f32 v12, v12  }
0x53: {  	v43 =	vld [tilespmem:s3+$0x850];
	v61 =	vnsel vm6, $0x3F800000, v1;
	v13 =	vmul.f32 v13, v13;
	v16 =	vmul.f32 v16, v16  }
0x54: {  	v48 =	vld [tilespmem:s3+$0x8870];
	v46 =	vnsel vm7, $0x3F800000, v1;
	v18 =	vmul.f32 v18, v18;
	v19 =	vmul.f32 v19, v19  }
0x55: {  	v3 =	vld [tilespmem:s3+$0x8030];
	v62 =	vnsel vm8, $0x3F800000, v1;
	v21 =	vmul.f32 v21, v21;
	v23 =	vmul.f32 v23, v23  }
0x56: {  	v22 =	vld [tilespmem:s3+$0x8850];
	v50 =	vnsel vm9, $0x3F800000, v1;
	v25 =	vmul.f32 v25, v25;
	v27 =	vmul.f32 v27, v27  }
0x57: {  	s7 =	sor.u32 $0xC00, s0;
	v24 =	vld [tilespmem:s3+$0x8860];
	vm14 =	vge.f32 v60, $0.0e+00;
	v34 =	vmul.f32 v34, v34;
	v2 =	vmul.f32 v11, v2  }
0x58: {  	v28 =	vld [tilespmem:s7+$0x8000];
	vm4 =	vge.f32 v40, $0.0e+00;
	v12 =	vmul.f32 v33, v12;
	v13 =	vmul.f32 v35, v13  }
0x59: {  	v45 =	vld [tilespmem:s3+$0x860];
	vm5 =	vge.f32 v42, $0.0e+00;
	v16 =	vmul.f32 v37, v16;
	v18 =	vmul.f32 v41, v18  }
0x5a: {  	vm8 =	vge.f32 v48, $0.0e+00;
	v33 =	vld [tilespmem:s3+$0x8820];
	v19 =	vmul.f32 v44, v19;
	v21 =	vmul.f32 v61, v21  }
0x5b: {  	v47 =	vld [tilespmem:s3+$0x870];
	v23 =	vmul.f32 v46, v23;
	v25 =	vmul.f32 v62, v25;
	v14 =	vshrl.u32 v2, $0x12  }
0x5c: {  	v35 =	vld [tilespmem:s3+$0x830];
	v27 =	vmul.f32 v50, v27;
	v58 =	vsub.f32 v10, v3;
	vm1 =	vge.f32 v3, $0.0e+00  }
0x5d: {  	s13 =	sor.u32 $0xC10, s0;
	s15 =	sor.u32 $0xC20, s0;
	s21 =	sor.u32 $0xC30, s0;
	v49 =	vld [tilespmem:s7+$0x0];
	vm6 =	vge.f32 v22, $0.0e+00;
	vm7 =	vge.f32 v24, $0.0e+00;
	vm9 =	vge.f32 v28, $0.0e+00  }
0x5e: {  	s22 =	sor.u32 $0xC40, s0;
	s31 =	sor.u32 $0xC50, s0;
	s0 =	sor.u32 $0xC60, s0;
	v51 =	vld [tilespmem:s13+$0x0];
	v31 =	vnsel vm1, $0x3F800000, v1;
	v39 =	vshrl.u32 v12, $0x12;
	v20 =	vshrl.u32 v16, $0x12  }
0x5f: {  	v44 =	vshrl.u32 v18, $0x12;
	v36 =	vsub.f32 v36, v33;
	vm15 =	vge.f32 v33, $0.0e+00;
	v33 =	vld [tilespmem:s0+$0x8000]  }
0x60: {  	v26 =	vshrl.u32 v19, $0x12;
	v46 =	vshrl.u32 v21, $0x12;
	v50 =	vshrl.u32 v25, $0x12;
	[tilespmem:v14+s19+$0x0] =	vst.idx.add.f32.msk $0xffff, v2  }
0x61: {  	v35 =	vsub.f32 v35, v40;
	v40 =	vnsel vm4, $0x3F800000, v1;
	v2 =	vsub.f32 v4, v5;
	v5 =	vld [tilespmem:s3+$0x8450]  }
0x62: {  	v62 =	vnsel vm15, $0x3F800000, v1;
	v4 =	vsub.f32 v6, v7;
	v7 =	vsub.f32 v8, v9;
	v8 =	vld [tilespmem:s3+$0x460]  }
0x63: {  	v6 =	vnsel vm10, $0x3F800000, v1;
	v9 =	vmul.f32 v58, v58;
	v14 =	vshrl.u32 v13, $0x12;
	[tilespmem:v39+s19+$0x0] =	vst.idx.add.f32.msk $0xffff, v12  }
0x64: {  	v39 =	vnsel vm6, $0x3F800000, v1;
	[tilespmem:v44+s19+$0x0] =	vst.idx.add.f32.msk $0xffff, v18;
	v44 =	vsub.f32 v47, v48;
	v2 =	vmul.f32 v2, v2  }
0x65: {  	[tilespmem:v46+s19+$0x0] =	vst.idx.add.f32.msk $0xffff, v21;
	v46 =	vnsel vm8, $0x3F800000, v1;
	v4 =	vmul.f32 v4, v4;
	v7 =	vmul.f32 v7, v7  }
0x66: {  	[tilespmem:v20+s19+$0x0] =	vst.idx.add.f32.msk $0xffff, v16;
	v48 =	vnsel vm9, $0x3F800000, v1;
	v9 =	vmul.f32 v31, v9;
	v20 =	vmul.f32 v44, v44  }
0x67: {  	v52 =	vld [tilespmem:s13+$0x8000];
	vm15 =	vge.f32 v33, $0.0e+00;
	v2 =	vmul.f32 v6, v2;
	v6 =	vnsel vm11, $0x3F800000, v1  }
0x68: {  	v53 =	vld [tilespmem:s15+$0x0];
	v38 =	vshrl.u32 v9, $0x12;
	vm11 =	vge.f32 v30, $0.0e+00;
	v3 =	vmul.f32 v6, v4  }
0x69: {  	v4 =	vnsel vm12, $0x3F800000, v1;
	v6 =	vld [tilespmem:s3+$0x8470];
	v29 =	vsub.f32 v29, v5;
	vm10 =	vge.f32 v5, $0.0e+00  }
0x6a: {  	v55 =	vld [tilespmem:s21+$0x0];
	v5 =	vshrl.u32 v23, $0x12;
	v8 =	vsub.f32 v8, v30;
	v54 =	vnsel vm11, $0x3F800000, v1  }
0x6b: {  	v30 =	vld [tilespmem:s15+$0x8000];
	v11 =	vshrl.u32 v2, $0x12;
	v4 =	vmul.f32 v4, v7;
	v63 =	vnsel vm10, $0x3F800000, v1  }
0x6c: {  	v7 =	vld [tilespmem:s3+$0x8800];
	vm10 =	vge.f32 v52, $0.0e+00;
	v15 =	vshrl.u32 v3, $0x12;
	v29 =	vmul.f32 v29, v29  }
0x6d: {  	[tilespmem:v50+s19+$0x0] =	vst.idx.add.f32.msk $0xffff, v25;
	v8 =	vmul.f32 v8, v8;
	v50 =	vnsel vm10, $0x3F800000, v1;
	v17 =	vshrl.u32 v4, $0x12  }
0x6e: {  	v56 =	vld [tilespmem:s21+$0x8000];
	v29 =	vmul.f32 v63, v29;
	v63 =	vnsel vm5, $0x3F800000, v1;
	v10 =	vsub.f32 v59, v6  }
0x6f: {  	vm12 =	vge.f32 v6, $0.0e+00;
	v6 =	vshrl.u32 v27, $0x12;
	[tilespmem:v5+s19+$0x0] =	vst.idx.add.f32.msk $0xffff, v23;
	v5 =	vsub.f32 v49, v28  }
0x70: {  	v57 =	vld [tilespmem:s22+$0x0];
	v49 =	vsub.f32 v51, v52;
	vm11 =	vge.f32 v30, $0.0e+00;
	v41 =	vnsel vm12, $0x3F800000, v1  }
0x71: {  	v37 =	vld [tilespmem:s3+$0x840];
	v32 =	vsub.f32 v32, v7;
	vm13 =	vge.f32 v7, $0.0e+00;
	v7 =	vmul.f32 v54, v8  }
0x72: {  	v54 =	vshrl.u32 v29, $0x12;
	[tilespmem:v11+s19+$0x0] =	vst.idx.add.f32.msk $0xffff, v2;
	v2 =	vmul.f32 v36, v36;
	v36 =	vsub.f32 v43, v22  }
0x73: {  	v60 =	vld [tilespmem:s31+$0x8000];
	v43 =	vnsel vm7, $0x3F800000, v1;
	v52 =	vnsel vm11, $0x3F800000, v1;
	v10 =	vmul.f32 v10, v10  }
0x74: {  	vm12 =	vge.f32 v56, $0.0e+00;
	[tilespmem:v15+s19+$0x0] =	vst.idx.add.f32.msk $0xffff, v3;
	v5 =	vmul.f32 v5, v5;
	v15 =	vmul.f32 v46, v20  }
0x75: {  	[tilespmem:v26+s19+$0x0] =	vst.idx.add.f32.msk $0xffff, v19;
	v58 =	vnsel vm13, $0x3F800000, v1;
	v22 =	vmul.f32 v49, v49;
	v32 =	vmul.f32 v32, v32  }
0x76: {  	v31 =	vshrl.u32 v7, $0x12;
	[tilespmem:v17+s19+$0x0] =	vst.idx.add.f32.msk $0xffff, v4;
	v10 =	vmul.f32 v41, v10;
	v41 =	vnsel vm14, $0x3F800000, v1  }
0x77: {  	v61 =	vld [tilespmem:s0+$0x0];
	v4 =	vsub.f32 v37, v42;
	v3 =	vmul.f32 v41, v34;
	v41 =	vmul.f32 v35, v35  }
0x78: {  	v8 =	vld [tilespmem:s22+$0x8000];
	v2 =	vmul.f32 v62, v2;
	v5 =	vmul.f32 v48, v5;
	v51 =	vshrl.u32 v15, $0x12  }
0x79: {  	[tilespmem:v38+s19+$0x0] =	vst.idx.add.f32.msk $0xffff, v9;
	vm14 =	vge.f32 v60, $0.0e+00;
	v38 =	vmul.f32 v40, v41;
	v41 =	vsub.f32 v45, v24  }
0x7a: {  	[tilespmem:v14+s19+$0x0] =	vst.idx.add.f32.msk $0xffff, v13;
	v32 =	vmul.f32 v58, v32;
	v4 =	vmul.f32 v4, v4;
	v37 =	vshrl.u32 v2, $0x12  }
0x7b: {  	v58 =	vshrl.u32 v10, $0x12;
	[tilespmem:v54+s19+$0x0] =	vst.idx.add.f32.msk $0xffff, v29;
	v54 =	vshrl.u32 v5, $0x12;
	v16 =	vmul.f32 v41, v41  }
0x7c: {  	v62 =	vshrl.u32 v3, $0x12;
	v4 =	vmul.f32 v63, v4;
	[tilespmem:v31+s19+$0x0] =	vst.idx.add.f32.msk $0xffff, v7;
	v7 =	vsub.f32 v53, v30  }
0x7d: {  	v59 =	vld [tilespmem:s31+$0x0];
	vm13 =	vge.f32 v8, $0.0e+00;
	v11 =	vshrl.u32 v32, $0x12;
	v16 =	vmul.f32 v43, v16  }
0x7e: {  	[tilespmem:v6+s19+$0x0] =	vst.idx.add.f32.msk $0xffff, v27;
	v53 =	vsub.f32 v55, v56;
	v45 =	vshrl.u32 v4, $0x12;
	v7 =	vmul.f32 v7, v7  }
0x7f: {  	v40 =	vmul.f32 v36, v36;
	v55 =	vmul.f32 v50, v22;
	[tilespmem:v51+s19+$0x0] =	vst.idx.add.f32.msk $0xffff, v15;
	v6 =	vshrl.u32 v16, $0x12  }
0x80: {  	v42 =	vshrl.u32 v38, $0x12;
	v56 =	vmul.f32 v53, v53;
	[tilespmem:v37+s19+$0x0] =	vst.idx.add.f32.msk $0xffff, v2;
	v7 =	vmul.f32 v52, v7  }
0x81: {  	v14 =	vmul.f32 v39, v40;
	v2 =	vsub.f32 v57, v8;
	[tilespmem:v62+s19+$0x0] =	vst.idx.add.f32.msk $0xffff, v3;
	v3 =	vnsel vm12, $0x3F800000, v1  }
0x82: {  	[tilespmem:v58+s19+$0x0] =	vst.idx.add.f32.msk $0xffff, v10;
	v58 =	vmul.f32 v3, v56;
	v3 =	vsub.f32 v59, v60;
	v59 =	vshrl.u32 v7, $0x12  }
0x83: {  	v8 =	vshrl.u32 v55, $0x12;
	v2 =	vmul.f32 v2, v2;
	[tilespmem:v45+s19+$0x0] =	vst.idx.add.f32.msk $0xffff, v4;
	v4 =	vsub.f32 v61, v33  }
0x84: {  	v57 =	vnsel vm13, $0x3F800000, v1;
	v47 =	vshrl.u32 v14, $0x12;
	[tilespmem:v6+s19+$0x0] =	vst.idx.add.f32.msk $0xffff, v16;
	v6 =	vmul.f32 v3, v3  }
0x85: {  	[tilespmem:v54+s19+$0x0] =	vst.idx.add.f32.msk $0xffff, v5;
	v62 =	vnsel vm14, $0x3F800000, v1;
	v4 =	vmul.f32 v4, v4;
	v3 =	vmul.f32 v57, v2  }
0x86: {  	v63 =	vnsel vm15, $0x3F800000, v1;
	[tilespmem:v11+s19+$0x0] =	vst.idx.add.f32.msk $0xffff, v32;
	v61 =	vshrl.u32 v58, $0x12;
	v2 =	vmul.f32 v62, v6  }
0x87: {  	v4 =	vmul.f32 v63, v4;
	[tilespmem:v59+s19+$0x0] =	vst.idx.add.f32.msk $0xffff, v7;
	v7 =	vshrl.u32 v3, $0x12  }
0x88: {  	[tilespmem:v42+s19+$0x0] =	vst.idx.add.f32.msk $0xffff, v38;
	v5 =	vshrl.u32 v2, $0x12  }
0x89: {  	[tilespmem:v8+s19+$0x0] =	vst.idx.add.f32.msk $0xffff, v55;
	v6 =	vshrl.u32 v4, $0x12  }
0x8a: {  	[tilespmem:v47+s19+$0x0] =	vst.idx.add.f32.msk $0xffff, v14  }
0x8b: {  	s29 =	simm.s32 $0x200;
	s30 =	simm.s32 $0x0;
	[tilespmem:v61+s19+$0x0] =	vst.idx.add.f32.msk $0xffff, v58  }
.LBB2_5:
0x8c: {  	s28 =	sadd.s32 $0x200, s28;
	s0 =	sand.u32 $0xFFFFF000, s29;
	[tilespmem:v7+s19+$0x0] =	vst.idx.add.f32.msk $0xffff, v3;
	s30 =	sadd.s32 $0x80, s30  }
0x8d: {  	s31 =	sadd.s32 s0, s30;
	s0 =	sand.u32 $0x3000, s28;
	s3 =	sand.u32 $0x380, s30;
	[tilespmem:v5+s19+$0x0] =	vst.idx.add.f32.msk $0xffff, v2  }
0x8e: {  	s22 =	sor.u32 s0, s3;
	s21 =	sor.u32 $0xC00, s31;
	s7 =	sor.u32 $0xC70, s31;
	[tilespmem:v6+s19+$0x0] =	vst.idx.add.f32.msk $0xffff, v4  }
0x8f: {  	s15 =	sor.u32 $0xC10, s31;
	s13 =	sor.u32 $0xC20, s31;
	s3 =	sor.u32 $0xC30, s31;
	v2 =	vld [tilespmem:s7+$0x0]  }
0x90: {  	s4 =	sor.u32 $0xC40, s31;
	s0 =	sor.u32 $0xC50, s31;
	s31 =	sor.u32 $0xC60, s31;
	v3 =	vld [tilespmem:s7+$0x8000]  }
0x91: {  	p0 =	slt.u32 s28, $0x3E00;
	v4 =	vld [tilespmem:s22+$0x0]  }
0x92: {  	v5 =	vld [tilespmem:s22+$0x8000]  }
0x93: {  	v6 =	vld [tilespmem:s22+$0x10]  }
0x94: {  	v7 =	vld [tilespmem:s22+$0x8010]  }
0x95: {  	v8 =	vld [tilespmem:s22+$0x20];
	v2 =	vsub.f32 v2, v3  }
0x96: {  	v9 =	vld [tilespmem:s22+$0x8020]  }
0x97: {  	vm0 =	vge.f32 v3, $0.0e+00;
	v4 =	vsub.f32 v4, v5;
	v10 =	vld [tilespmem:s22+$0x30];
	v2 =	vmul.f32 v2, v2  }
0x98: {  	vm1 =	vge.f32 v5, $0.0e+00;
	v5 =	vnsel vm0, $0x3F800000, v1;
	v3 =	vld [tilespmem:s22+$0x8030]  }
0x99: {  	v4 =	vmul.f32 v4, v4;
	v6 =	vsub.f32 v6, v7;
	v11 =	vld [tilespmem:s22+$0x40];
	v5 =	vmul.f32 v5, v2  }
0x9a: {  	v2 =	vnsel vm1, $0x3F800000, v1;
	vm0 =	vge.f32 v7, $0.0e+00;
	v7 =	vld [tilespmem:s22+$0x8040]  }
0x9b: {  	v6 =	vmul.f32 v6, v6;
	v8 =	vsub.f32 v8, v9;
	v12 =	vld [tilespmem:s22+$0x50];
	v13 =	vshrl.u32 v5, $0x12  }
0x9c: {  	v2 =	vmul.f32 v2, v4;
	v4 =	vnsel vm0, $0x3F800000, v1;
	vm0 =	vge.f32 v9, $0.0e+00;
	v9 =	vld [tilespmem:s22+$0x8050]  }
0x9d: {  	v8 =	vmul.f32 v8, v8;
	v10 =	vsub.f32 v10, v3;
	vm1 =	vge.f32 v3, $0.0e+00;
	v14 =	vld [tilespmem:s22+$0x60]  }
0x9e: {  	v3 =	vmul.f32 v4, v6;
	v4 =	vnsel vm0, $0x3F800000, v1;
	v15 =	vnsel vm1, $0x3F800000, v1;
	v16 =	vld [tilespmem:s22+$0x8060]  }
0x9f: {  	v10 =	vmul.f32 v10, v10;
	v11 =	vsub.f32 v11, v7;
	vm0 =	vge.f32 v7, $0.0e+00;
	v17 =	vld [tilespmem:s22+$0x70]  }
0xa0: {  	v6 =	vshrl.u32 v2, $0x12;
	v4 =	vmul.f32 v4, v8;
	v7 =	vnsel vm0, $0x3F800000, v1;
	[tilespmem:v13+s19+$0x0] =	vst.idx.add.f32.msk $0xffff, v5  }
0xa1: {  	v8 =	vmul.f32 v11, v11;
	v11 =	vsub.f32 v12, v9;
	vm0 =	vge.f32 v9, $0.0e+00;
	v18 =	vld [tilespmem:s22+$0x8070]  }
0xa2: {  	v9 =	vshrl.u32 v3, $0x12;
	v5 =	vmul.f32 v15, v10;
	v10 =	vnsel vm0, $0x3F800000, v1;
	v15 =	vld [tilespmem:s22+$0x400]  }
0xa3: {  	v13 =	vmul.f32 v11, v11;
	v14 =	vsub.f32 v14, v16;
	vm0 =	vge.f32 v16, $0.0e+00;
	v16 =	vld [tilespmem:s22+$0x8400]  }
0xa4: {  	v11 =	vshrl.u32 v4, $0x12;
	v7 =	vmul.f32 v7, v8;
	v19 =	vnsel vm0, $0x3F800000, v1;
	v20 =	vld [tilespmem:s22+$0x410]  }
0xa5: {  	v12 =	vshrl.u32 v5, $0x12;
	v8 =	vmul.f32 v10, v13;
	v10 =	vmul.f32 v14, v14;
	v21 =	vld [tilespmem:s22+$0x8410]  }
0xa6: {  	v13 =	vshrl.u32 v7, $0x12;
	v17 =	vsub.f32 v17, v18;
	vm0 =	vge.f32 v18, $0.0e+00;
	v18 =	vld [tilespmem:s22+$0x420]  }
0xa7: {  	v14 =	vshrl.u32 v8, $0x12;
	v10 =	vmul.f32 v19, v10;
	v19 =	vnsel vm0, $0x3F800000, v1;
	v22 =	vld [tilespmem:s22+$0x8420]  }
0xa8: {  	v17 =	vmul.f32 v17, v17;
	v23 =	vsub.f32 v15, v16;
	vm0 =	vge.f32 v16, $0.0e+00;
	v24 =	vld [tilespmem:s22+$0x430]  }
0xa9: {  	v15 =	vshrl.u32 v10, $0x12;
	v25 =	vnsel vm0, $0x3F800000, v1;
	v26 =	vld [tilespmem:s22+$0x8430]  }
0xaa: {  	v23 =	vmul.f32 v23, v23;
	v20 =	vsub.f32 v20, v21;
	vm0 =	vge.f32 v21, $0.0e+00;
	v21 =	vld [tilespmem:s22+$0x440]  }
0xab: {  	v16 =	vmul.f32 v19, v17;
	v19 =	vnsel vm0, $0x3F800000, v1;
	v27 =	vld [tilespmem:s22+$0x8440]  }
0xac: {  	v28 =	vmul.f32 v20, v20;
	v20 =	vsub.f32 v18, v22;
	vm0 =	vge.f32 v22, $0.0e+00;
	v29 =	vld [tilespmem:s22+$0x450]  }
0xad: {  	v18 =	vshrl.u32 v16, $0x12;
	v17 =	vmul.f32 v25, v23;
	v23 =	vnsel vm0, $0x3F800000, v1;
	v25 =	vld [tilespmem:s22+$0x8450]  }
0xae: {  	v30 =	vmul.f32 v20, v20;
	v22 =	vsub.f32 v24, v26;
	vm0 =	vge.f32 v26, $0.0e+00;
	v26 =	vld [tilespmem:s22+$0x460]  }
0xaf: {  	v20 =	vshrl.u32 v17, $0x12;
	v19 =	vmul.f32 v19, v28;
	v28 =	vnsel vm0, $0x3F800000, v1;
	v31 =	vld [tilespmem:s22+$0x8460]  }
0xb0: {  	v32 =	vmul.f32 v22, v22;
	v24 =	vsub.f32 v21, v27;
	vm0 =	vge.f32 v27, $0.0e+00;
	v27 =	vld [tilespmem:s22+$0x470]  }
0xb1: {  	v22 =	vshrl.u32 v19, $0x12;
	v21 =	vmul.f32 v23, v30;
	v30 =	vnsel vm0, $0x3F800000, v1;
	v33 =	vld [tilespmem:s22+$0x8470]  }
0xb2: {  	v34 =	vmul.f32 v24, v24;
	v29 =	vsub.f32 v29, v25;
	vm0 =	vge.f32 v25, $0.0e+00;
	v35 =	vld [tilespmem:s22+$0x800]  }
0xb3: {  	v24 =	vshrl.u32 v21, $0x12;
	v23 =	vmul.f32 v28, v32;
	v32 =	vnsel vm0, $0x3F800000, v1;
	v36 =	vld [tilespmem:s22+$0x8800]  }
0xb4: {  	v29 =	vmul.f32 v29, v29;
	v28 =	vsub.f32 v26, v31;
	vm0 =	vge.f32 v31, $0.0e+00;
	v31 =	vld [tilespmem:s22+$0x810]  }
0xb5: {  	v26 =	vshrl.u32 v23, $0x12;
	v25 =	vmul.f32 v30, v34;
	v34 =	vnsel vm0, $0x3F800000, v1;
	v37 =	vld [tilespmem:s22+$0x8810]  }
0xb6: {  	v38 =	vmul.f32 v28, v28;
	v30 =	vsub.f32 v27, v33;
	vm0 =	vge.f32 v33, $0.0e+00;
	v33 =	vld [tilespmem:s22+$0x820]  }
0xb7: {  	v28 =	vshrl.u32 v25, $0x12;
	v27 =	vmul.f32 v32, v29;
	v39 =	vnsel vm0, $0x3F800000, v1;
	v40 =	vld [tilespmem:s22+$0x8820]  }
0xb8: {  	v41 =	vmul.f32 v30, v30;
	v32 =	vsub.f32 v35, v36;
	vm0 =	vge.f32 v36, $0.0e+00;
	v35 =	vld [tilespmem:s22+$0x830]  }
0xb9: {  	v30 =	vshrl.u32 v27, $0x12;
	v29 =	vmul.f32 v34, v38;
	v36 =	vnsel vm0, $0x3F800000, v1;
	v38 =	vld [tilespmem:s22+$0x8830]  }
0xba: {  	v42 =	vmul.f32 v32, v32;
	v34 =	vsub.f32 v31, v37;
	vm0 =	vge.f32 v37, $0.0e+00;
	v37 =	vld [tilespmem:s22+$0x840]  }
0xbb: {  	v32 =	vshrl.u32 v29, $0x12;
	v31 =	vmul.f32 v39, v41;
	v39 =	vnsel vm0, $0x3F800000, v1;
	v41 =	vld [tilespmem:s22+$0x8840]  }
0xbc: {  	v43 =	vmul.f32 v34, v34;
	v44 =	vsub.f32 v33, v40;
	vm0 =	vge.f32 v40, $0.0e+00;
	v40 =	vld [tilespmem:s22+$0x850]  }
0xbd: {  	v34 =	vshrl.u32 v31, $0x12;
	v33 =	vmul.f32 v36, v42;
	v42 =	vnsel vm0, $0x3F800000, v1;
	v45 =	vld [tilespmem:s22+$0x8850]  }
0xbe: {  	v44 =	vmul.f32 v44, v44;
	v46 =	vsub.f32 v35, v38;
	vm0 =	vge.f32 v38, $0.0e+00;
	v47 =	vld [tilespmem:s22+$0x860]  }
0xbf: {  	v36 =	vshrl.u32 v33, $0x12;
	v35 =	vmul.f32 v39, v43;
	v39 =	vnsel vm0, $0x3F800000, v1;
	v43 =	vld [tilespmem:s22+$0x8860]  }
0xc0: {  	v46 =	vmul.f32 v46, v46;
	v48 =	vsub.f32 v37, v41;
	vm0 =	vge.f32 v41, $0.0e+00;
	v41 =	vld [tilespmem:s22+$0x870]  }
0xc1: {  	v38 =	vshrl.u32 v35, $0x12;
	v37 =	vmul.f32 v42, v44;
	v42 =	vnsel vm0, $0x3F800000, v1;
	v44 =	vld [tilespmem:s22+$0x8870]  }
0xc2: {  	v48 =	vmul.f32 v48, v48;
	v40 =	vsub.f32 v40, v45;
	vm0 =	vge.f32 v45, $0.0e+00;
	v45 =	vld [tilespmem:s21+$0x0]  }
0xc3: {  	v49 =	vshrl.u32 v37, $0x12;
	v39 =	vmul.f32 v39, v46;
	v46 =	vnsel vm0, $0x3F800000, v1;
	v50 =	vld [tilespmem:s21+$0x8000]  }
0xc4: {  	v40 =	vmul.f32 v40, v40;
	v47 =	vsub.f32 v47, v43;
	vm0 =	vge.f32 v43, $0.0e+00;
	v43 =	vld [tilespmem:s15+$0x0]  }
0xc5: {  	v51 =	vshrl.u32 v39, $0x12;
	v42 =	vmul.f32 v42, v48;
	v48 =	vnsel vm0, $0x3F800000, v1;
	v52 =	vld [tilespmem:s15+$0x8000]  }
0xc6: {  	v47 =	vmul.f32 v47, v47;
	v41 =	vsub.f32 v41, v44;
	vm0 =	vge.f32 v44, $0.0e+00;
	v44 =	vld [tilespmem:s13+$0x0]  }
0xc7: {  	v53 =	vshrl.u32 v42, $0x12;
	v40 =	vmul.f32 v46, v40;
	v46 =	vnsel vm0, $0x3F800000, v1;
	v54 =	vld [tilespmem:s13+$0x8000]  }
0xc8: {  	v41 =	vmul.f32 v41, v41;
	v45 =	vsub.f32 v45, v50;
	vm0 =	vge.f32 v50, $0.0e+00;
	v50 =	vld [tilespmem:s3+$0x0]  }
0xc9: {  	v55 =	vshrl.u32 v40, $0x12;
	v47 =	vmul.f32 v48, v47;
	v48 =	vnsel vm0, $0x3F800000, v1;
	v56 =	vld [tilespmem:s3+$0x8000]  }
0xca: {  	v45 =	vmul.f32 v45, v45;
	v43 =	vsub.f32 v43, v52;
	vm0 =	vge.f32 v52, $0.0e+00;
	v52 =	vld [tilespmem:s4+$0x0]  }
0xcb: {  	v57 =	vshrl.u32 v47, $0x12;
	v41 =	vmul.f32 v46, v41;
	v46 =	vnsel vm0, $0x3F800000, v1;
	v58 =	vld [tilespmem:s4+$0x8000]  }
0xcc: {  	v43 =	vmul.f32 v43, v43;
	v44 =	vsub.f32 v44, v54;
	vm0 =	vge.f32 v54, $0.0e+00;
	v54 =	vld [tilespmem:s0+$0x0]  }
0xcd: {  	v59 =	vshrl.u32 v41, $0x12;
	v45 =	vmul.f32 v48, v45;
	v48 =	vnsel vm0, $0x3F800000, v1;
	v60 =	vld [tilespmem:s0+$0x8000]  }
0xce: {  	v44 =	vmul.f32 v44, v44;
	v50 =	vsub.f32 v50, v56;
	vm0 =	vge.f32 v56, $0.0e+00;
	v56 =	vld [tilespmem:s31+$0x0]  }
0xcf: {  	v61 =	vshrl.u32 v45, $0x12;
	v43 =	vmul.f32 v46, v43;
	v46 =	vnsel vm0, $0x3F800000, v1;
	v62 =	vld [tilespmem:s31+$0x8000]  }
0xd0: {  	[tilespmem:v6+s19+$0x0] =	vst.idx.add.f32.msk $0xffff, v2;
	v2 =	vmul.f32 v50, v50;
	v6 =	vsub.f32 v52, v58;
	vm0 =	vge.f32 v58, $0.0e+00  }
0xd1: {  	v44 =	vmul.f32 v48, v44;
	[tilespmem:v9+s19+$0x0] =	vst.idx.add.f32.msk $0xffff, v3;
	v9 =	vshrl.u32 v43, $0x12;
	v3 =	vnsel vm0, $0x3F800000, v1  }
0xd2: {  	[tilespmem:v11+s19+$0x0] =	vst.idx.add.f32.msk $0xffff, v4;
	v4 =	vmul.f32 v6, v6;
	v6 =	vsub.f32 v54, v60;
	vm0 =	vge.f32 v60, $0.0e+00  }
0xd3: {  	v11 =	vshrl.u32 v44, $0x12;
	[tilespmem:v12+s19+$0x0] =	vst.idx.add.f32.msk $0xffff, v5;
	v12 =	vmul.f32 v46, v2;
	v2 =	vnsel vm0, $0x3F800000, v1  }
0xd4: {  	[tilespmem:v13+s19+$0x0] =	vst.idx.add.f32.msk $0xffff, v7;
	v5 =	vmul.f32 v6, v6;
	v6 =	vsub.f32 v56, v62;
	vm0 =	vge.f32 v62, $0.0e+00  }
0xd5: {  	v3 =	vmul.f32 v3, v4;
	[tilespmem:v14+s19+$0x0] =	vst.idx.add.f32.msk $0xffff, v8;
	v8 =	vshrl.u32 v12, $0x12;
	v4 =	vnsel vm0, $0x3F800000, v1  }
0xd6: {  	[tilespmem:v15+s19+$0x0] =	vst.idx.add.f32.msk $0xffff, v10;
	v2 =	vmul.f32 v2, v5;
	v6 =	vmul.f32 v6, v6  }
0xd7: {  	v7 =	vshrl.u32 v3, $0x12;
	[tilespmem:v18+s19+$0x0] =	vst.idx.add.f32.msk $0xffff, v16  }
0xd8: {  	[tilespmem:v20+s19+$0x0] =	vst.idx.add.f32.msk $0xffff, v17;
	v5 =	vshrl.u32 v2, $0x12;
	v4 =	vmul.f32 v4, v6  }
0xd9: {  	[tilespmem:v22+s19+$0x0] =	vst.idx.add.f32.msk $0xffff, v19  }
0xda: {  	[tilespmem:v24+s19+$0x0] =	vst.idx.add.f32.msk $0xffff, v21;
	v6 =	vshrl.u32 v4, $0x12  }
0xdb: {  	[tilespmem:v26+s19+$0x0] =	vst.idx.add.f32.msk $0xffff, v23  }
0xdc: {  	[tilespmem:v28+s19+$0x0] =	vst.idx.add.f32.msk $0xffff, v25  }
0xdd: {  	[tilespmem:v30+s19+$0x0] =	vst.idx.add.f32.msk $0xffff, v27  }
0xde: {  	[tilespmem:v32+s19+$0x0] =	vst.idx.add.f32.msk $0xffff, v29  }
0xdf: {  	[tilespmem:v34+s19+$0x0] =	vst.idx.add.f32.msk $0xffff, v31  }
0xe0: {  	[tilespmem:v36+s19+$0x0] =	vst.idx.add.f32.msk $0xffff, v33  }
0xe1: {  	[tilespmem:v38+s19+$0x0] =	vst.idx.add.f32.msk $0xffff, v35  }
0xe2: {  	[tilespmem:v49+s19+$0x0] =	vst.idx.add.f32.msk $0xffff, v37  }
0xe3: {  	[tilespmem:v51+s19+$0x0] =	vst.idx.add.f32.msk $0xffff, v39  }
0xe4: {  	[tilespmem:v53+s19+$0x0] =	vst.idx.add.f32.msk $0xffff, v42  }
0xe5: {  	[tilespmem:v55+s19+$0x0] =	vst.idx.add.f32.msk $0xffff, v40  }
0xe6: {  	[tilespmem:v57+s19+$0x0] =	vst.idx.add.f32.msk $0xffff, v47  }
.Ltmp3:
0xe7: {  	[tilespmem:v59+s19+$0x0] =	vst.idx.add.f32.msk $0xffff, v41;
	(pc) =	sbr.rel @p0 .LBB2_5-.Ltmp3, $4  }
0xe8: {  	[tilespmem:v61+s19+$0x0] =	vst.idx.add.f32.msk $0xffff, v45  }
0xe9: {  	[tilespmem:v9+s19+$0x0] =	vst.idx.add.f32.msk $0xffff, v43  }
0xea: {  	[tilespmem:v11+s19+$0x0] =	vst.idx.add.f32.msk $0xffff, v44  }
0xeb: {  	s29 =	sadd.s32 $0x200, s29;
	[tilespmem:v8+s19+$0x0] =	vst.idx.add.f32.msk $0xffff, v12  }
0xec: {  	p0 =	seq.s32 s25, $0x1F  }
0xed: {  	s0 =	sshll.u32 @!p0 s25, $0xF  }
0xee: {  	s0 =	sadd.s32 @!p0 $0x8000, s0  }
0xef: {  	s3 =	sand.u32 @!p0 $0x1C0000, s0  }
0xf0: {  	s0 =	sand.u32 @!p0 $0x38000, s0;
	s3 =	sadd.s32 @!p0 s6, s3  }
0xf1: {  	[tilespmem:v7+s19+$0x0] =	vst.idx.add.f32.msk $0xffff, v3;
	s0 =	sor.u32 @!p0 s0, s3  }
0xf2: {  	[tilespmem:v5+s19+$0x0] =	vst.idx.add.f32.msk $0xffff, v2;
	s0 =	sshrl.u32 @!p0 s0, $0x3  }
0xf3: {  	[tilespmem:v6+s19+$0x0] =	vst.idx.add.f32.msk $0xffff, v4;
	s4 =	simm.s32 @!p0 $0x0;
	s3 =	sadd.s32 @!p0 s1, s0  }
0xf4: {  	[tilespmem:s4], [sflag:$0x1] =	stream.linear.gather @!p0 [hbm4b:s3+s4], $0x4000, $0x38;
	[tilespmem:$0x14080] =	vst v63  }
0xf5: {  	s0 =	sadd.s32 @!p0 s2, s0;
	s3 =	simm.s32 @!p0 $0x8000  }
0xf6: {  	[tilespmem:s3], [sflag:$0x1] =	stream.linear.gather @!p0 [hbm4b:s0+s4], $0x4000, $0x38;
	[tilespmem:$0x14080] =	vst v63  }
0xf7: {  	_ =	swait.ge [sflag:s20], $0x4000  }
0xf8: {  	[sflag:s20] =	ssyncset.done $0x0  }
0xf9: {  	[sflag:s20] =	ssyncadd.s32 $0xFFFFC000  }
0xfa: {  	s28 =	simm.s32 $0x0;
	_ =	swait.ge [sflag:s20], $0x4000  }
0xfb: {  	s22 =	sand.u32 $0xFFFFF000, s28;
	[sflag:s20] =	ssyncset.done $0x0  }
0xfc: {  	s0 =	sadd.s32 $0x0, s22;
	[sflag:s20] =	ssyncadd.s32 $0xFFFFC000  }
0xfd: {  	s30 =	sor.u32 $0xC70, s0;
	v1 =	vld [tilespmem:s26+$0x10000]  }
0xfe: {  	v2 =	vld [tilespmem:s30+$0x4000]  }
0xff: {  	s13 =	sor.u32 $0xC00, s0;
	v3 =	vld [tilespmem:s30+$0xC000]  }
0x100: {  	s15 =	sor.u32 $0xC10, s0;
	v49 =	vld [tilespmem:s13+$0x4000]  }
0x101: {  	s26 =	simm.s32 $0x0;
	v51 =	vld [tilespmem:s15+$0x4000]  }
0x102: {  	s7 =	sand.u32 $0x380, s28;
	s21 =	sor.u32 $0xC20, s0;
	v52 =	vld [tilespmem:s15+$0xC000];
	s31 =	sand.u32 $0x3000, s26  }
0x103: {  	v53 =	vld [tilespmem:s21+$0x4000];
	s3 =	sor.u32 s31, s7  }
0x104: {  	v5 =	vld [tilespmem:s3+$0xC000]  }
0x105: {  	v7 =	vld [tilespmem:s3+$0xC010]  }
0x106: {  	v9 =	vld [tilespmem:s3+$0xC020]  }
0x107: {  	v12 =	vld [tilespmem:s3+$0x4040]  }
0x108: {  	v56 =	vld [tilespmem:s3+$0xC040]  }
0x109: {  	v13 =	vld [tilespmem:s3+$0x4050]  }
0x10a: {  	v15 =	vld [tilespmem:s3+$0xC050]  }
0x10b: {  	v16 =	vld [tilespmem:s3+$0x4060]  }
0x10c: {  	v17 =	vld [tilespmem:s3+$0xC060]  }
0x10d: {  	v18 =	vld [tilespmem:s3+$0x4070]  }
0x10e: {  	v57 =	vld [tilespmem:s3+$0xC070]  }
0x10f: {  	v19 =	vld [tilespmem:s3+$0x4400]  }
0x110: {  	v20 =	vld [tilespmem:s3+$0xC400]  }
0x111: {  	v21 =	vld [tilespmem:s3+$0x4410]  }
0x112: {  	v22 =	vld [tilespmem:s3+$0xC410]  }
0x113: {  	v23 =	vld [tilespmem:s3+$0x4420]  }
0x114: {  	v24 =	vld [tilespmem:s3+$0xC420]  }
0x115: {  	v25 =	vld [tilespmem:s3+$0x4430]  }
0x116: {  	v26 =	vld [tilespmem:s3+$0xC430];
	v2 =	vsub.f32 v2, v3  }
0x117: {  	v27 =	vld [tilespmem:s3+$0x4440];
	vm0 =	vge.f32 v3, $0.0e+00  }
0x118: {  	v28 =	vld [tilespmem:s3+$0xC440];
	v11 =	vnsel vm0, $0x3F800000, v1;
	v2 =	vmul.f32 v2, v2;
	vm10 =	vge.f32 v5, $0.0e+00  }
0x119: {  	v34 =	vld [tilespmem:s3+$0x4810];
	vm11 =	vge.f32 v7, $0.0e+00;
	vm12 =	vge.f32 v9, $0.0e+00;
	v12 =	vsub.f32 v12, v56  }
0x11a: {  	s22 =	sor.u32 $0xC30, s0;
	v60 =	vld [tilespmem:s3+$0xC810];
	vm13 =	vge.f32 v56, $0.0e+00;
	v13 =	vsub.f32 v13, v15;
	vm14 =	vge.f32 v15, $0.0e+00  }
0x11b: {  	v55 =	vld [tilespmem:s22+$0x4000];
	v16 =	vsub.f32 v16, v17;
	vm15 =	vge.f32 v17, $0.0e+00;
	v18 =	vsub.f32 v18, v57  }
0x11c: {  	v4 =	vld [tilespmem:s3+$0x4000];
	vm4 =	vge.f32 v57, $0.0e+00;
	v19 =	vsub.f32 v19, v20;
	vm5 =	vge.f32 v20, $0.0e+00  }
0x11d: {  	v6 =	vld [tilespmem:s3+$0x4010];
	v21 =	vsub.f32 v21, v22;
	vm6 =	vge.f32 v22, $0.0e+00;
	v23 =	vsub.f32 v23, v24  }
0x11e: {  	v8 =	vld [tilespmem:s3+$0x4020];
	vm7 =	vge.f32 v24, $0.0e+00;
	v25 =	vsub.f32 v25, v26;
	vm8 =	vge.f32 v26, $0.0e+00  }
0x11f: {  	v10 =	vld [tilespmem:s3+$0x4030];
	v27 =	vsub.f32 v27, v28;
	vm9 =	vge.f32 v28, $0.0e+00;
	v34 =	vsub.f32 v34, v60  }
0x120: {  	v40 =	vld [tilespmem:s3+$0xC830];
	v2 =	vmul.f32 v11, v2;
	v33 =	vnsel vm13, $0x3F800000, v1;
	v35 =	vnsel vm14, $0x3F800000, v1  }
0x121: {  	v42 =	vld [tilespmem:s3+$0xC840];
	v37 =	vnsel vm15, $0x3F800000, v1;
	v41 =	vnsel vm4, $0x3F800000, v1;
	v44 =	vnsel vm5, $0x3F800000, v1  }
0x122: {  	v48 =	vld [tilespmem:s3+$0xC870];
	v61 =	vnsel vm6, $0x3F800000, v1;
	v46 =	vnsel vm7, $0x3F800000, v1;
	v62 =	vnsel vm8, $0x3F800000, v1  }
0x123: {  	v3 =	vld [tilespmem:s3+$0xC030];
	v50 =	vnsel vm9, $0x3F800000, v1;
	v12 =	vmul.f32 v12, v12;
	v13 =	vmul.f32 v13, v13  }
0x124: {  	v29 =	vld [tilespmem:s3+$0x4450];
	vm14 =	vge.f32 v60, $0.0e+00;
	v16 =	vmul.f32 v16, v16;
	v18 =	vmul.f32 v18, v18  }
0x125: {  	v30 =	vld [tilespmem:s3+$0xC460];
	vm4 =	vge.f32 v40, $0.0e+00;
	v19 =	vmul.f32 v19, v19;
	v21 =	vmul.f32 v21, v21  }
0x126: {  	v22 =	vld [tilespmem:s3+$0xC850];
	vm5 =	vge.f32 v42, $0.0e+00;
	v23 =	vmul.f32 v23, v23;
	v25 =	vmul.f32 v25, v25  }
0x127: {  	v24 =	vld [tilespmem:s3+$0xC860];
	vm8 =	vge.f32 v48, $0.0e+00;
	v27 =	vmul.f32 v27, v27;
	v34 =	vmul.f32 v34, v34  }
0x128: {  	v28 =	vld [tilespmem:s13+$0xC000];
	v58 =	vsub.f32 v10, v3;
	v12 =	vmul.f32 v33, v12;
	v13 =	vmul.f32 v35, v13  }
0x129: {  	v59 =	vld [tilespmem:s3+$0x4470];
	vm1 =	vge.f32 v3, $0.0e+00;
	v16 =	vmul.f32 v37, v16;
	v18 =	vmul.f32 v41, v18  }
0x12a: {  	v32 =	vld [tilespmem:s3+$0x4800];
	v14 =	vshrl.u32 v2, $0x12;
	v19 =	vmul.f32 v44, v19;
	v21 =	vmul.f32 v61, v21  }
0x12b: {  	v36 =	vld [tilespmem:s3+$0x4820];
	v31 =	vnsel vm1, $0x3F800000, v1;
	v23 =	vmul.f32 v46, v23;
	v25 =	vmul.f32 v62, v25  }
0x12c: {  	v33 =	vld [tilespmem:s3+$0xC820];
	v27 =	vmul.f32 v50, v27;
	vm6 =	vge.f32 v22, $0.0e+00;
	vm7 =	vge.f32 v24, $0.0e+00  }
0x12d: {  	v35 =	vld [tilespmem:s3+$0x4830];
	vm9 =	vge.f32 v28, $0.0e+00;
	v39 =	vshrl.u32 v12, $0x12;
	v20 =	vshrl.u32 v16, $0x12  }
0x12e: {  	v47 =	vld [tilespmem:s3+$0x4870];
	v44 =	vshrl.u32 v18, $0x12;
	v26 =	vshrl.u32 v19, $0x12;
	v46 =	vshrl.u32 v21, $0x12  }
0x12f: {  	v50 =	vshrl.u32 v25, $0x12;
	[tilespmem:v14+s19+$0x0] =	vst.idx.add.f32.msk $0xffff, v2;
	v2 =	vsub.f32 v4, v5;
	v4 =	vsub.f32 v6, v7  }
0x130: {  	v43 =	vld [tilespmem:s3+$0x4850];
	v6 =	vnsel vm10, $0x3F800000, v1;
	v7 =	vsub.f32 v8, v9;
	v9 =	vmul.f32 v58, v58  }
0x131: {  	v5 =	vld [tilespmem:s3+$0xC450];
	v14 =	vshrl.u32 v13, $0x12;
	v36 =	vsub.f32 v36, v33;
	vm15 =	vge.f32 v33, $0.0e+00  }
0x132: {  	v8 =	vld [tilespmem:s3+$0x4460];
	v35 =	vsub.f32 v35, v40;
	v2 =	vmul.f32 v2, v2;
	v4 =	vmul.f32 v4, v4  }
0x133: {  	v40 =	vnsel vm4, $0x3F800000, v1;
	v7 =	vmul.f32 v7, v7;
	v9 =	vmul.f32 v31, v9;
	[tilespmem:v39+s19+$0x0] =	vst.idx.add.f32.msk $0xffff, v12  }
0x134: {  	v62 =	vnsel vm15, $0x3F800000, v1;
	v39 =	vnsel vm6, $0x3F800000, v1;
	[tilespmem:v44+s19+$0x0] =	vst.idx.add.f32.msk $0xffff, v18;
	v44 =	vsub.f32 v47, v48  }
0x135: {  	s30 =	sor.u32 $0xC40, s0;
	s31 =	sor.u32 $0xC50, s0;
	s0 =	sor.u32 $0xC60, s0;
	[tilespmem:v46+s19+$0x0] =	vst.idx.add.f32.msk $0xffff, v21;
	v46 =	vnsel vm8, $0x3F800000, v1;
	v48 =	vnsel vm9, $0x3F800000, v1;
	v2 =	vmul.f32 v6, v2  }
0x136: {  	v33 =	vld [tilespmem:s0+$0xC000];
	v6 =	vnsel vm11, $0x3F800000, v1;
	v38 =	vshrl.u32 v9, $0x12;
	vm11 =	vge.f32 v30, $0.0e+00  }
0x137: {  	v45 =	vld [tilespmem:s3+$0x4860];
	v3 =	vmul.f32 v6, v4;
	v4 =	vnsel vm12, $0x3F800000, v1;
	v29 =	vsub.f32 v29, v5  }
0x138: {  	v6 =	vld [tilespmem:s3+$0xC470];
	vm10 =	vge.f32 v5, $0.0e+00;
	v5 =	vshrl.u32 v23, $0x12;
	v8 =	vsub.f32 v8, v30  }
0x139: {  	[tilespmem:v20+s19+$0x0] =	vst.idx.add.f32.msk $0xffff, v16;
	v54 =	vnsel vm11, $0x3F800000, v1;
	v20 =	vmul.f32 v44, v44;
	v11 =	vshrl.u32 v2, $0x12  }
0x13a: {  	v30 =	vld [tilespmem:s21+$0xC000];
	v4 =	vmul.f32 v4, v7;
	v63 =	vnsel vm10, $0x3F800000, v1;
	vm10 =	vge.f32 v52, $0.0e+00  }
0x13b: {  	v7 =	vld [tilespmem:s3+$0xC800];
	vm15 =	vge.f32 v33, $0.0e+00;
	v15 =	vshrl.u32 v3, $0x12;
	v29 =	vmul.f32 v29, v29  }
0x13c: {  	[tilespmem:v50+s19+$0x0] =	vst.idx.add.f32.msk $0xffff, v25;
	v8 =	vmul.f32 v8, v8;
	v50 =	vnsel vm10, $0x3F800000, v1;
	v17 =	vshrl.u32 v4, $0x12  }
0x13d: {  	v56 =	vld [tilespmem:s22+$0xC000];
	v29 =	vmul.f32 v63, v29;
	v63 =	vnsel vm5, $0x3F800000, v1;
	v10 =	vsub.f32 v59, v6  }
0x13e: {  	vm12 =	vge.f32 v6, $0.0e+00;
	v6 =	vshrl.u32 v27, $0x12;
	[tilespmem:v5+s19+$0x0] =	vst.idx.add.f32.msk $0xffff, v23;
	v5 =	vsub.f32 v49, v28  }
0x13f: {  	v57 =	vld [tilespmem:s30+$0x4000];
	v49 =	vsub.f32 v51, v52;
	vm11 =	vge.f32 v30, $0.0e+00;
	v41 =	vnsel vm12, $0x3F800000, v1  }
0x140: {  	v37 =	vld [tilespmem:s3+$0x4840];
	v32 =	vsub.f32 v32, v7;
	vm13 =	vge.f32 v7, $0.0e+00;
	v7 =	vmul.f32 v54, v8  }
0x141: {  	v54 =	vshrl.u32 v29, $0x12;
	[tilespmem:v11+s19+$0x0] =	vst.idx.add.f32.msk $0xffff, v2;
	v2 =	vmul.f32 v36, v36;
	v36 =	vsub.f32 v43, v22  }
0x142: {  	v60 =	vld [tilespmem:s31+$0xC000];
	v43 =	vnsel vm7, $0x3F800000, v1;
	v52 =	vnsel vm11, $0x3F800000, v1;
	v10 =	vmul.f32 v10, v10  }
0x143: {  	vm12 =	vge.f32 v56, $0.0e+00;
	[tilespmem:v15+s19+$0x0] =	vst.idx.add.f32.msk $0xffff, v3;
	v5 =	vmul.f32 v5, v5;
	v15 =	vmul.f32 v46, v20  }
0x144: {  	v61 =	vld [tilespmem:s0+$0x4000];
	v58 =	vnsel vm13, $0x3F800000, v1;
	v22 =	vmul.f32 v49, v49;
	v32 =	vmul.f32 v32, v32  }
0x145: {  	v31 =	vshrl.u32 v7, $0x12;
	[tilespmem:v17+s19+$0x0] =	vst.idx.add.f32.msk $0xffff, v4;
	v4 =	vsub.f32 v37, v42;
	v2 =	vmul.f32 v62, v2  }
0x146: {  	[tilespmem:v26+s19+$0x0] =	vst.idx.add.f32.msk $0xffff, v19;
	v10 =	vmul.f32 v41, v10;
	v41 =	vnsel vm14, $0x3F800000, v1;
	v5 =	vmul.f32 v48, v5  }
0x147: {  	v8 =	vld [tilespmem:s30+$0xC000];
	v51 =	vshrl.u32 v15, $0x12;
	v3 =	vmul.f32 v41, v34;
	v41 =	vmul.f32 v35, v35  }
0x148: {  	[tilespmem:v14+s19+$0x0] =	vst.idx.add.f32.msk $0xffff, v13;
	vm14 =	vge.f32 v60, $0.0e+00;
	v32 =	vmul.f32 v58, v32;
	v4 =	vmul.f32 v4, v4  }
0x149: {  	[tilespmem:v38+s19+$0x0] =	vst.idx.add.f32.msk $0xffff, v9;
	v37 =	vshrl.u32 v2, $0x12;
	v38 =	vmul.f32 v40, v41;
	v41 =	vsub.f32 v45, v24  }
0x14a: {  	v58 =	vshrl.u32 v10, $0x12;
	[tilespmem:v54+s19+$0x0] =	vst.idx.add.f32.msk $0xffff, v29;
	v54 =	vshrl.u32 v5, $0x12;
	v4 =	vmul.f32 v63, v4  }
0x14b: {  	v62 =	vshrl.u32 v3, $0x12;
	[tilespmem:v31+s19+$0x0] =	vst.idx.add.f32.msk $0xffff, v7;
	v7 =	vsub.f32 v53, v30;
	v16 =	vmul.f32 v41, v41  }
0x14c: {  	v59 =	vld [tilespmem:s31+$0x4000];
	vm13 =	vge.f32 v8, $0.0e+00;
	v11 =	vshrl.u32 v32, $0x12;
	v53 =	vsub.f32 v55, v56  }
0x14d: {  	[tilespmem:v6+s19+$0x0] =	vst.idx.add.f32.msk $0xffff, v27;
	v45 =	vshrl.u32 v4, $0x12;
	v7 =	vmul.f32 v7, v7;
	v16 =	vmul.f32 v43, v16  }
0x14e: {  	v40 =	vmul.f32 v36, v36;
	v55 =	vmul.f32 v50, v22;
	v42 =	vshrl.u32 v38, $0x12;
	[tilespmem:v51+s19+$0x0] =	vst.idx.add.f32.msk $0xffff, v15  }
0x14f: {  	v56 =	vmul.f32 v53, v53;
	[tilespmem:v37+s19+$0x0] =	vst.idx.add.f32.msk $0xffff, v2;
	v7 =	vmul.f32 v52, v7;
	v6 =	vshrl.u32 v16, $0x12  }
0x150: {  	v14 =	vmul.f32 v39, v40;
	v2 =	vsub.f32 v57, v8;
	[tilespmem:v62+s19+$0x0] =	vst.idx.add.f32.msk $0xffff, v3;
	v3 =	vnsel vm12, $0x3F800000, v1  }
0x151: {  	[tilespmem:v58+s19+$0x0] =	vst.idx.add.f32.msk $0xffff, v10;
	v58 =	vmul.f32 v3, v56;
	v3 =	vsub.f32 v59, v60;
	v59 =	vshrl.u32 v7, $0x12  }
0x152: {  	v8 =	vshrl.u32 v55, $0x12;
	v2 =	vmul.f32 v2, v2;
	[tilespmem:v45+s19+$0x0] =	vst.idx.add.f32.msk $0xffff, v4;
	v4 =	vsub.f32 v61, v33  }
0x153: {  	v57 =	vnsel vm13, $0x3F800000, v1;
	v47 =	vshrl.u32 v14, $0x12;
	[tilespmem:v54+s19+$0x0] =	vst.idx.add.f32.msk $0xffff, v5;
	v3 =	vmul.f32 v3, v3  }
0x154: {  	v2 =	vmul.f32 v57, v2;
	v4 =	vmul.f32 v4, v4;
	[tilespmem:v6+s19+$0x0] =	vst.idx.add.f32.msk $0xffff, v16;
	v6 =	vnsel vm14, $0x3F800000, v1  }
0x155: {  	v63 =	vnsel vm15, $0x3F800000, v1;
	[tilespmem:v11+s19+$0x0] =	vst.idx.add.f32.msk $0xffff, v32;
	v62 =	vshrl.u32 v58, $0x12;
	v3 =	vmul.f32 v6, v3  }
0x156: {  	v4 =	vmul.f32 v63, v4;
	[tilespmem:v59+s19+$0x0] =	vst.idx.add.f32.msk $0xffff, v7;
	v7 =	vshrl.u32 v2, $0x12  }
0x157: {  	[tilespmem:v42+s19+$0x0] =	vst.idx.add.f32.msk $0xffff, v38;
	v5 =	vshrl.u32 v3, $0x12  }
0x158: {  	[tilespmem:v8+s19+$0x0] =	vst.idx.add.f32.msk $0xffff, v55;
	v6 =	vshrl.u32 v4, $0x12  }
0x159: {  	[tilespmem:v47+s19+$0x0] =	vst.idx.add.f32.msk $0xffff, v14  }
0x15a: {  	s29 =	simm.s32 $0x200;
	[tilespmem:v62+s19+$0x0] =	vst.idx.add.f32.msk $0xffff, v58  }
.LBB2_7:
0x15b: {  	s26 =	sadd.s32 $0x200, s26;
	s0 =	sand.u32 $0xFFFFF000, s29;
	[tilespmem:v7+s19+$0x0] =	vst.idx.add.f32.msk $0xffff, v2;
	s28 =	sadd.s32 $0x80, s28  }
0x15c: {  	s7 =	sadd.s32 s0, s28;
	s0 =	sand.u32 $0x3000, s26;
	s3 =	sand.u32 $0x380, s28;
	[tilespmem:v5+s19+$0x0] =	vst.idx.add.f32.msk $0xffff, v3  }
0x15d: {  	s22 =	sor.u32 s0, s3;
	s21 =	sor.u32 $0xC00, s7;
	s31 =	sor.u32 $0xC70, s7;
	[tilespmem:v6+s19+$0x0] =	vst.idx.add.f32.msk $0xffff, v4  }
0x15e: {  	s15 =	sor.u32 $0xC10, s7;
	s13 =	sor.u32 $0xC20, s7;
	s3 =	sor.u32 $0xC30, s7;
	v2 =	vld [tilespmem:s31+$0x4000]  }
0x15f: {  	s4 =	sor.u32 $0xC40, s7;
	s0 =	sor.u32 $0xC50, s7;
	s30 =	sor.u32 $0xC60, s7;
	v3 =	vld [tilespmem:s31+$0xC000]  }
0x160: {  	p1 =	slt.u32 s26, $0x3E00;
	v4 =	vld [tilespmem:s22+$0x4000]  }
0x161: {  	v5 =	vld [tilespmem:s22+$0xC000]  }
0x162: {  	v6 =	vld [tilespmem:s22+$0x4010]  }
0x163: {  	v7 =	vld [tilespmem:s22+$0xC010]  }
0x164: {  	v8 =	vld [tilespmem:s22+$0x4020];
	v2 =	vsub.f32 v2, v3  }
0x165: {  	v9 =	vld [tilespmem:s22+$0xC020]  }
0x166: {  	vm0 =	vge.f32 v3, $0.0e+00;
	v4 =	vsub.f32 v4, v5;
	v10 =	vld [tilespmem:s22+$0x4030];
	v2 =	vmul.f32 v2, v2  }
0x167: {  	vm1 =	vge.f32 v5, $0.0e+00;
	v5 =	vnsel vm0, $0x3F800000, v1;
	v3 =	vld [tilespmem:s22+$0xC030]  }
0x168: {  	v4 =	vmul.f32 v4, v4;
	v6 =	vsub.f32 v6, v7;
	v11 =	vld [tilespmem:s22+$0x4040];
	v5 =	vmul.f32 v5, v2  }
0x169: {  	v2 =	vnsel vm1, $0x3F800000, v1;
	vm0 =	vge.f32 v7, $0.0e+00;
	v7 =	vld [tilespmem:s22+$0xC040]  }
0x16a: {  	v6 =	vmul.f32 v6, v6;
	v8 =	vsub.f32 v8, v9;
	v12 =	vld [tilespmem:s22+$0x4050];
	v13 =	vshrl.u32 v5, $0x12  }
0x16b: {  	v2 =	vmul.f32 v2, v4;
	v4 =	vnsel vm0, $0x3F800000, v1;
	vm0 =	vge.f32 v9, $0.0e+00;
	v9 =	vld [tilespmem:s22+$0xC050]  }
0x16c: {  	v8 =	vmul.f32 v8, v8;
	v10 =	vsub.f32 v10, v3;
	vm1 =	vge.f32 v3, $0.0e+00;
	v14 =	vld [tilespmem:s22+$0x4060]  }
0x16d: {  	v3 =	vmul.f32 v4, v6;
	v4 =	vnsel vm0, $0x3F800000, v1;
	v15 =	vnsel vm1, $0x3F800000, v1;
	v16 =	vld [tilespmem:s22+$0xC060]  }
0x16e: {  	v10 =	vmul.f32 v10, v10;
	v11 =	vsub.f32 v11, v7;
	vm0 =	vge.f32 v7, $0.0e+00;
	v17 =	vld [tilespmem:s22+$0x4070]  }
0x16f: {  	v6 =	vshrl.u32 v2, $0x12;
	v4 =	vmul.f32 v4, v8;
	v7 =	vnsel vm0, $0x3F800000, v1;
	[tilespmem:v13+s19+$0x0] =	vst.idx.add.f32.msk $0xffff, v5  }
0x170: {  	v8 =	vmul.f32 v11, v11;
	v11 =	vsub.f32 v12, v9;
	vm0 =	vge.f32 v9, $0.0e+00;
	v18 =	vld [tilespmem:s22+$0xC070]  }
0x171: {  	v9 =	vshrl.u32 v3, $0x12;
	v5 =	vmul.f32 v15, v10;
	v10 =	vnsel vm0, $0x3F800000, v1;
	v15 =	vld [tilespmem:s22+$0x4400]  }
0x172: {  	v13 =	vmul.f32 v11, v11;
	v14 =	vsub.f32 v14, v16;
	vm0 =	vge.f32 v16, $0.0e+00;
	v16 =	vld [tilespmem:s22+$0xC400]  }
0x173: {  	v11 =	vshrl.u32 v4, $0x12;
	v7 =	vmul.f32 v7, v8;
	v19 =	vnsel vm0, $0x3F800000, v1;
	v20 =	vld [tilespmem:s22+$0x4410]  }
0x174: {  	v12 =	vshrl.u32 v5, $0x12;
	v8 =	vmul.f32 v10, v13;
	v10 =	vmul.f32 v14, v14;
	v21 =	vld [tilespmem:s22+$0xC410]  }
0x175: {  	v13 =	vshrl.u32 v7, $0x12;
	v17 =	vsub.f32 v17, v18;
	vm0 =	vge.f32 v18, $0.0e+00;
	v18 =	vld [tilespmem:s22+$0x4420]  }
0x176: {  	v14 =	vshrl.u32 v8, $0x12;
	v10 =	vmul.f32 v19, v10;
	v19 =	vnsel vm0, $0x3F800000, v1;
	v22 =	vld [tilespmem:s22+$0xC420]  }
0x177: {  	v17 =	vmul.f32 v17, v17;
	v23 =	vsub.f32 v15, v16;
	vm0 =	vge.f32 v16, $0.0e+00;
	v24 =	vld [tilespmem:s22+$0x4430]  }
0x178: {  	v15 =	vshrl.u32 v10, $0x12;
	v25 =	vnsel vm0, $0x3F800000, v1;
	v26 =	vld [tilespmem:s22+$0xC430]  }
0x179: {  	v23 =	vmul.f32 v23, v23;
	v20 =	vsub.f32 v20, v21;
	vm0 =	vge.f32 v21, $0.0e+00;
	v21 =	vld [tilespmem:s22+$0x4440]  }
0x17a: {  	v16 =	vmul.f32 v19, v17;
	v19 =	vnsel vm0, $0x3F800000, v1;
	v27 =	vld [tilespmem:s22+$0xC440]  }
0x17b: {  	v28 =	vmul.f32 v20, v20;
	v20 =	vsub.f32 v18, v22;
	vm0 =	vge.f32 v22, $0.0e+00;
	v29 =	vld [tilespmem:s22+$0x4450]  }
0x17c: {  	v18 =	vshrl.u32 v16, $0x12;
	v17 =	vmul.f32 v25, v23;
	v23 =	vnsel vm0, $0x3F800000, v1;
	v25 =	vld [tilespmem:s22+$0xC450]  }
0x17d: {  	v30 =	vmul.f32 v20, v20;
	v22 =	vsub.f32 v24, v26;
	vm0 =	vge.f32 v26, $0.0e+00;
	v26 =	vld [tilespmem:s22+$0x4460]  }
0x17e: {  	v20 =	vshrl.u32 v17, $0x12;
	v19 =	vmul.f32 v19, v28;
	v28 =	vnsel vm0, $0x3F800000, v1;
	v31 =	vld [tilespmem:s22+$0xC460]  }
0x17f: {  	v32 =	vmul.f32 v22, v22;
	v24 =	vsub.f32 v21, v27;
	vm0 =	vge.f32 v27, $0.0e+00;
	v27 =	vld [tilespmem:s22+$0x4470]  }
0x180: {  	v22 =	vshrl.u32 v19, $0x12;
	v21 =	vmul.f32 v23, v30;
	v30 =	vnsel vm0, $0x3F800000, v1;
	v33 =	vld [tilespmem:s22+$0xC470]  }
0x181: {  	v34 =	vmul.f32 v24, v24;
	v29 =	vsub.f32 v29, v25;
	vm0 =	vge.f32 v25, $0.0e+00;
	v35 =	vld [tilespmem:s22+$0x4800]  }
0x182: {  	v24 =	vshrl.u32 v21, $0x12;
	v23 =	vmul.f32 v28, v32;
	v32 =	vnsel vm0, $0x3F800000, v1;
	v36 =	vld [tilespmem:s22+$0xC800]  }
0x183: {  	v29 =	vmul.f32 v29, v29;
	v28 =	vsub.f32 v26, v31;
	vm0 =	vge.f32 v31, $0.0e+00;
	v31 =	vld [tilespmem:s22+$0x4810]  }
0x184: {  	v26 =	vshrl.u32 v23, $0x12;
	v25 =	vmul.f32 v30, v34;
	v34 =	vnsel vm0, $0x3F800000, v1;
	v37 =	vld [tilespmem:s22+$0xC810]  }
0x185: {  	v38 =	vmul.f32 v28, v28;
	v30 =	vsub.f32 v27, v33;
	vm0 =	vge.f32 v33, $0.0e+00;
	v33 =	vld [tilespmem:s22+$0x4820]  }
0x186: {  	v28 =	vshrl.u32 v25, $0x12;
	v27 =	vmul.f32 v32, v29;
	v39 =	vnsel vm0, $0x3F800000, v1;
	v40 =	vld [tilespmem:s22+$0xC820]  }
0x187: {  	v41 =	vmul.f32 v30, v30;
	v32 =	vsub.f32 v35, v36;
	vm0 =	vge.f32 v36, $0.0e+00;
	v35 =	vld [tilespmem:s22+$0x4830]  }
0x188: {  	v30 =	vshrl.u32 v27, $0x12;
	v29 =	vmul.f32 v34, v38;
	v36 =	vnsel vm0, $0x3F800000, v1;
	v38 =	vld [tilespmem:s22+$0xC830]  }
0x189: {  	v42 =	vmul.f32 v32, v32;
	v34 =	vsub.f32 v31, v37;
	vm0 =	vge.f32 v37, $0.0e+00;
	v37 =	vld [tilespmem:s22+$0x4840]  }
0x18a: {  	v32 =	vshrl.u32 v29, $0x12;
	v31 =	vmul.f32 v39, v41;
	v39 =	vnsel vm0, $0x3F800000, v1;
	v41 =	vld [tilespmem:s22+$0xC840]  }
0x18b: {  	v43 =	vmul.f32 v34, v34;
	v44 =	vsub.f32 v33, v40;
	vm0 =	vge.f32 v40, $0.0e+00;
	v40 =	vld [tilespmem:s22+$0x4850]  }
0x18c: {  	v34 =	vshrl.u32 v31, $0x12;
	v33 =	vmul.f32 v36, v42;
	v42 =	vnsel vm0, $0x3F800000, v1;
	v45 =	vld [tilespmem:s22+$0xC850]  }
0x18d: {  	v44 =	vmul.f32 v44, v44;
	v46 =	vsub.f32 v35, v38;
	vm0 =	vge.f32 v38, $0.0e+00;
	v47 =	vld [tilespmem:s22+$0x4860]  }
0x18e: {  	v36 =	vshrl.u32 v33, $0x12;
	v35 =	vmul.f32 v39, v43;
	v39 =	vnsel vm0, $0x3F800000, v1;
	v43 =	vld [tilespmem:s22+$0xC860]  }
0x18f: {  	v46 =	vmul.f32 v46, v46;
	v48 =	vsub.f32 v37, v41;
	vm0 =	vge.f32 v41, $0.0e+00;
	v41 =	vld [tilespmem:s22+$0x4870]  }
0x190: {  	v38 =	vshrl.u32 v35, $0x12;
	v37 =	vmul.f32 v42, v44;
	v42 =	vnsel vm0, $0x3F800000, v1;
	v44 =	vld [tilespmem:s22+$0xC870]  }
0x191: {  	v48 =	vmul.f32 v48, v48;
	v40 =	vsub.f32 v40, v45;
	vm0 =	vge.f32 v45, $0.0e+00;
	v45 =	vld [tilespmem:s21+$0x4000]  }
0x192: {  	v49 =	vshrl.u32 v37, $0x12;
	v39 =	vmul.f32 v39, v46;
	v46 =	vnsel vm0, $0x3F800000, v1;
	v50 =	vld [tilespmem:s21+$0xC000]  }
0x193: {  	v40 =	vmul.f32 v40, v40;
	v47 =	vsub.f32 v47, v43;
	vm0 =	vge.f32 v43, $0.0e+00;
	v43 =	vld [tilespmem:s15+$0x4000]  }
0x194: {  	v51 =	vshrl.u32 v39, $0x12;
	v42 =	vmul.f32 v42, v48;
	v48 =	vnsel vm0, $0x3F800000, v1;
	v52 =	vld [tilespmem:s15+$0xC000]  }
0x195: {  	v47 =	vmul.f32 v47, v47;
	v41 =	vsub.f32 v41, v44;
	vm0 =	vge.f32 v44, $0.0e+00;
	v44 =	vld [tilespmem:s13+$0x4000]  }
0x196: {  	v53 =	vshrl.u32 v42, $0x12;
	v40 =	vmul.f32 v46, v40;
	v46 =	vnsel vm0, $0x3F800000, v1;
	v54 =	vld [tilespmem:s13+$0xC000]  }
0x197: {  	v41 =	vmul.f32 v41, v41;
	v45 =	vsub.f32 v45, v50;
	vm0 =	vge.f32 v50, $0.0e+00;
	v50 =	vld [tilespmem:s3+$0x4000]  }
0x198: {  	v55 =	vshrl.u32 v40, $0x12;
	v47 =	vmul.f32 v48, v47;
	v48 =	vnsel vm0, $0x3F800000, v1;
	v56 =	vld [tilespmem:s3+$0xC000]  }
0x199: {  	v45 =	vmul.f32 v45, v45;
	v43 =	vsub.f32 v43, v52;
	vm0 =	vge.f32 v52, $0.0e+00;
	v52 =	vld [tilespmem:s4+$0x4000]  }
0x19a: {  	v57 =	vshrl.u32 v47, $0x12;
	v41 =	vmul.f32 v46, v41;
	v46 =	vnsel vm0, $0x3F800000, v1;
	v58 =	vld [tilespmem:s4+$0xC000]  }
0x19b: {  	v43 =	vmul.f32 v43, v43;
	v44 =	vsub.f32 v44, v54;
	vm0 =	vge.f32 v54, $0.0e+00;
	v54 =	vld [tilespmem:s0+$0x4000]  }
0x19c: {  	v59 =	vshrl.u32 v41, $0x12;
	v45 =	vmul.f32 v48, v45;
	v48 =	vnsel vm0, $0x3F800000, v1;
	v60 =	vld [tilespmem:s0+$0xC000]  }
0x19d: {  	v44 =	vmul.f32 v44, v44;
	v50 =	vsub.f32 v50, v56;
	vm0 =	vge.f32 v56, $0.0e+00;
	v56 =	vld [tilespmem:s30+$0x4000]  }
0x19e: {  	v61 =	vshrl.u32 v45, $0x12;
	v43 =	vmul.f32 v46, v43;
	v46 =	vnsel vm0, $0x3F800000, v1;
	v62 =	vld [tilespmem:s30+$0xC000]  }
0x19f: {  	[tilespmem:v6+s19+$0x0] =	vst.idx.add.f32.msk $0xffff, v2;
	v2 =	vmul.f32 v50, v50;
	v6 =	vsub.f32 v52, v58;
	vm0 =	vge.f32 v58, $0.0e+00  }
0x1a0: {  	v44 =	vmul.f32 v48, v44;
	[tilespmem:v9+s19+$0x0] =	vst.idx.add.f32.msk $0xffff, v3;
	v9 =	vshrl.u32 v43, $0x12;
	v3 =	vnsel vm0, $0x3F800000, v1  }
0x1a1: {  	[tilespmem:v11+s19+$0x0] =	vst.idx.add.f32.msk $0xffff, v4;
	v4 =	vmul.f32 v6, v6;
	v6 =	vsub.f32 v54, v60;
	vm0 =	vge.f32 v60, $0.0e+00  }
0x1a2: {  	v11 =	vshrl.u32 v44, $0x12;
	[tilespmem:v12+s19+$0x0] =	vst.idx.add.f32.msk $0xffff, v5;
	v12 =	vmul.f32 v46, v2;
	v5 =	vnsel vm0, $0x3F800000, v1  }
0x1a3: {  	[tilespmem:v13+s19+$0x0] =	vst.idx.add.f32.msk $0xffff, v7;
	v6 =	vmul.f32 v6, v6;
	v7 =	vsub.f32 v56, v62;
	vm0 =	vge.f32 v62, $0.0e+00  }
0x1a4: {  	v2 =	vmul.f32 v3, v4;
	[tilespmem:v14+s19+$0x0] =	vst.idx.add.f32.msk $0xffff, v8;
	v8 =	vshrl.u32 v12, $0x12;
	v4 =	vnsel vm0, $0x3F800000, v1  }
0x1a5: {  	[tilespmem:v15+s19+$0x0] =	vst.idx.add.f32.msk $0xffff, v10;
	v3 =	vmul.f32 v5, v6;
	v6 =	vmul.f32 v7, v7  }
0x1a6: {  	v7 =	vshrl.u32 v2, $0x12;
	[tilespmem:v18+s19+$0x0] =	vst.idx.add.f32.msk $0xffff, v16  }
0x1a7: {  	[tilespmem:v20+s19+$0x0] =	vst.idx.add.f32.msk $0xffff, v17;
	v5 =	vshrl.u32 v3, $0x12;
	v4 =	vmul.f32 v4, v6  }
0x1a8: {  	[tilespmem:v22+s19+$0x0] =	vst.idx.add.f32.msk $0xffff, v19  }
0x1a9: {  	[tilespmem:v24+s19+$0x0] =	vst.idx.add.f32.msk $0xffff, v21;
	v6 =	vshrl.u32 v4, $0x12  }
0x1aa: {  	[tilespmem:v26+s19+$0x0] =	vst.idx.add.f32.msk $0xffff, v23  }
0x1ab: {  	[tilespmem:v28+s19+$0x0] =	vst.idx.add.f32.msk $0xffff, v25  }
0x1ac: {  	[tilespmem:v30+s19+$0x0] =	vst.idx.add.f32.msk $0xffff, v27  }
0x1ad: {  	[tilespmem:v32+s19+$0x0] =	vst.idx.add.f32.msk $0xffff, v29  }
0x1ae: {  	[tilespmem:v34+s19+$0x0] =	vst.idx.add.f32.msk $0xffff, v31  }
0x1af: {  	[tilespmem:v36+s19+$0x0] =	vst.idx.add.f32.msk $0xffff, v33  }
0x1b0: {  	[tilespmem:v38+s19+$0x0] =	vst.idx.add.f32.msk $0xffff, v35  }
0x1b1: {  	[tilespmem:v49+s19+$0x0] =	vst.idx.add.f32.msk $0xffff, v37  }
0x1b2: {  	[tilespmem:v51+s19+$0x0] =	vst.idx.add.f32.msk $0xffff, v39  }
0x1b3: {  	[tilespmem:v53+s19+$0x0] =	vst.idx.add.f32.msk $0xffff, v42  }
0x1b4: {  	[tilespmem:v55+s19+$0x0] =	vst.idx.add.f32.msk $0xffff, v40  }
0x1b5: {  	[tilespmem:v57+s19+$0x0] =	vst.idx.add.f32.msk $0xffff, v47  }
.Ltmp4:
0x1b6: {  	[tilespmem:v59+s19+$0x0] =	vst.idx.add.f32.msk $0xffff, v41;
	(pc) =	sbr.rel @p1 .LBB2_7-.Ltmp4, $4  }
0x1b7: {  	[tilespmem:v61+s19+$0x0] =	vst.idx.add.f32.msk $0xffff, v45  }
0x1b8: {  	[tilespmem:v9+s19+$0x0] =	vst.idx.add.f32.msk $0xffff, v43  }
0x1b9: {  	[tilespmem:v11+s19+$0x0] =	vst.idx.add.f32.msk $0xffff, v44  }
0x1ba: {  	s29 =	sadd.s32 $0x200, s29;
	[tilespmem:v8+s19+$0x0] =	vst.idx.add.f32.msk $0xffff, v12  }
0x1bb: {  	_ =	sdelay $0x1  }
.Ltmp5:
0x1bc: {  	_ = 	snop;
	(pc) =	sbr.rel @p0 .LBB2_10-.Ltmp5, $4  }
0x1bd: {  	_ = 	snop  }
0x1be: {  	[tilespmem:v7+s19+$0x0] =	vst.idx.add.f32.msk $0xffff, v2  }
0x1bf: {  	[tilespmem:v5+s19+$0x0] =	vst.idx.add.f32.msk $0xffff, v3  }
0x1c0: {  	[tilespmem:v6+s19+$0x0] =	vst.idx.add.f32.msk $0xffff, v4  }
0x1c1: {  	s0 =	sshll.u32 s25, $0xF  }
0x1c2: {  	s0 =	sadd.s32 $0xC000, s0  }
0x1c3: {  	s3 =	sand.u32 $0x1C0000, s0  }
0x1c4: {  	s0 =	sand.u32 $0x3C000, s0;
	s3 =	sadd.s32 s6, s3  }
0x1c5: {  	s0 =	sor.u32 s0, s3  }
.Ltmp6:
0x1c6: {  	s0 =	sshrl.u32 s0, $0x3;
	(pc) =	sbr.rel .LBB2_4-.Ltmp6, $4  }
0x1c7: {  	s31 =	sadd.s32 s1, s0  }
0x1c8: {  	[tilespmem:s16], [sflag:$0x2] =	stream.linear.gather [hbm4b:s31+s5], $0x4000, $0x38;
	[tilespmem:$0x14080] =	vst v63  }
0x1c9: {  	s25 =	sadd.s32 $0x1, s25;
	s0 =	sadd.s32 s2, s0  }
0x1ca: {  	[tilespmem:s17], [sflag:$0x2] =	stream.linear.gather [hbm4b:s0+s5], $0x4000, $0x38;
	[tilespmem:$0x14080] =	vst v63  }
.LBB2_11:
0x1cb: {  	_ =	sfence.sel $0x180000  }
0x1cc: {  	[bflag:$0x0] =	sbarrier.arrive $0xFFFF  }
0x1cd: {  	_ =	strace $0x90000047  }
0x1ce: {  	s0 =	stileid.u32;
	[bflag:$0x2] =	sbarrier.arrive $0xFFFF  }
0x1cf: {  	p0 =	sne.s32 s0, $0x0;
	s0 =	rddreg [dreg:$0x4]  }
0x1d0: {  	s0 =	sadd.s32 @!p0 $0x100000, s0  }
0x1d1: {  	[sflag:s0] =	ssyncadd.tile.s32 @!p0 $0x1;
	_ =	shalt  }
.Lfunc_end2:
_tile_overlayer_lowered:
.L_overlay_start_2:
0x1d2: {  	(tag) =	ssettag $0x2  }
0x1d3: {  	s0 =	rddreg [dreg:$0x0];
	s2 =	stileid.u32  }
0x1d4: {  	s1 =	rddreg [dreg:$0x1];
	p0 =	sne.s32 s2, $0x0  }
0x1d5: {  	s3 =	rddreg [dreg:$0x2];
	[bflag:$0x3] =	sbarrier.arrive $0xFFFF;
	s2 =	simm.s32 @!p0 $0x1C03  }
0x1d6: {  	[timem:s3], [sflag:s2] =	dma.local @!p0 [hbm:s0], s1  }
0x1d7: {  	s0 =	simm.s32 @!p0 $0x3  }
0x1d8: {  	_ =	swait.ge @!p0 [sflag:s0], s1  }
0x1d9: {  	s1 =	ssub.s32 @!p0 $0x0, s1;
	[sflag:s0] =	ssyncset.done @!p0 $0x0  }
0x1da: {  	[sflag:s0] =	ssyncadd.s32 @!p0 s1  }
0x1db: {  	[bflag:$0x3] =	sbarrier.arrive $0xFFFF  }
0x1dc: {  	_ =	shalt  }

</sc_bundles>
